<compile_context>
chip_gen: v7x
topology: tpu7x:2x2x1
jax: 0.10.2.dev20260603
libtpu: 0.0.44.dev20260713+nightly
codegen_flags: <defaults>
</compile_context>

<pallas_src>
import functools

import jax
import jax.numpy as jnp
from jax import lax
from jax.experimental import pallas as pl
from jax.experimental.pallas import tpu as pltpu
from jax.experimental.pallas import tpu_sc as plsc

_D = 64
_R = 8
_SCALE = 2.0
_LANES = 16
_NDC = _D // _LANES
_BSZ = 256


@functools.cache
def _make_sc_kernel(n_b: int, n_l: int):
    info = plsc.get_sparse_core_info()
    nc, ns = info.num_cores, info.num_subcores
    nw = nc * ns
    bpw = n_b // nw
    ncb = bpw // _BSZ
    assert bpw * nw == n_b and ncb * _BSZ == bpw
    n_chunks = n_l * ncb
    mesh = plsc.VectorSubcoreMesh(core_axis_name="c", subcore_axis_name="s")

    rows_t = pltpu.VMEM((_BSZ, _D), jnp.float32)
    arows_t = pltpu.VMEM((_BSZ, _R), jnp.int32)
    tbuf_t = pltpu.VMEM((_D, _BSZ + 1), jnp.float32)

    @functools.partial(
        pl.kernel,
        mesh=mesh,
        compiler_params=pltpu.CompilerParams(use_tc_tiling_on_sc=False,
                                             needs_layout_passes=False),
        out_type=jax.ShapeDtypeStruct((n_l, _D, n_b), jnp.float32),
        scratch_types=(
            [pltpu.VMEM((n_l, bpw), jnp.int32)]
            + [rows_t] * 2 + [arows_t] * 2 + [tbuf_t] * 2
            + [pltpu.VMEM((_R, _D), jnp.float32)]
            + [pltpu.SemaphoreType.DMA] * 6
        ),
    )
    def k(idxT_hbm, w_hbm, a_hbm, b_hbm, out_hbm, idx_v,
          rows0, rows1, arows0, arows1, tbuf0, tbuf1, b_v,
          semw0, semw1, sema0, sema1, semo0, semo1):
        rows = (rows0, rows1)
        arows = (arows0, arows1)
        tbuf = (tbuf0, tbuf1)
        semw = (semw0, semw1)
        sema = (sema0, sema1)
        semo = (semo0, semo1)

        wid = lax.axis_index("s") * nc + lax.axis_index("c")
        bw0 = wid * bpw
        pltpu.sync_copy(idxT_hbm.at[:, pl.ds(bw0, bpw)], idx_v)
        pltpu.sync_copy(b_hbm, b_v)
        b_vecs = [[plsc.pack(b_v[r, pl.ds(h * 32, _LANES)] * _SCALE,
                             b_v[r, pl.ds(h * 32 + _LANES, _LANES)] * _SCALE,
                             format=plsc.PackFormat.INTERLEAVED)
                   for h in range(2)] for r in range(_R)]
        r_ids = [jnp.full((_LANES,), r, jnp.int32) for r in range(_R)]
        lane = lax.iota(jnp.int32, _LANES)
        d_ids = [lane + c * _LANES for c in range(_NDC)]

        def issue(l, cb):
            idx_slice = idx_v.at[l, pl.ds(cb * _BSZ, _BSZ)]
            pltpu.async_copy(w_hbm.at[idx_slice], rows[cb], semw[cb])
            pltpu.async_copy(a_hbm.at[idx_slice], arows[cb], sema[cb])

        def wait(l, cb):
            idx_slice = idx_v.at[l, pl.ds(cb * _BSZ, _BSZ)]
            pltpu.make_async_copy(w_hbm.at[idx_slice], rows[cb],
                                  semw[cb]).wait()
            pltpu.make_async_copy(a_hbm.at[idx_slice], arows[cb],
                                  sema[cb]).wait()

        def out_slice(l, cb):
            return out_hbm.at[l, :, pl.ds(bw0 + cb * _BSZ, _BSZ)]

        def compute(cb):
            rows_v, arows_v, tb = rows[cb], arows[cb], tbuf[cb]

            @plsc.parallel_loop(0, _BSZ, unroll=4)
            def row_body(i):
                ib = jnp.broadcast_to(i, (_LANES,))
                splats = [
                    jnp.reshape(
                        plsc.bitcast(plsc.load_gather(arows_v,
                                                      [ib, r_ids[r]]),
                                     jnp.bfloat16), (32,))
                    for r in range(_R)
                ]
                for h in range(2):
                    acc = splats[0] * b_vecs[0][h]
                    for r in range(1, _R):
                        acc = acc + splats[r] * b_vecs[r][h]
                    lo, hi = plsc.unpack(acc,
                                         format=plsc.PackFormat.INTERLEAVED)
                    for c, corr in ((2 * h, lo), (2 * h + 1, hi)):
                        fused = rows_v[i, pl.ds(c * _LANES, _LANES)] + corr
                        plsc.store_scatter(tb, [d_ids[c], ib], fused)

        issue(0, 0)

        def l_body(l, carry):
            for cb in range(ncb):
                nxt_cb = (cb + 1) % ncb
                if cb + 1 < ncb:
                    issue(l, nxt_cb)
                else:
                    @pl.when(l + 1 < n_l)
                    def _():
                        issue(l + 1, nxt_cb)

                wait(l, cb)

                @pl.when(l > 0)
                def _():
                    pltpu.make_async_copy(tbuf[cb].at[:, pl.ds(0, _BSZ)],
                                          out_slice(l - 1, cb),
                                          semo[cb]).wait()

                compute(cb)
                pltpu.async_copy(tbuf[cb].at[:, pl.ds(0, _BSZ)],
                                 out_slice(l, cb), semo[cb])
            return carry

        lax.fori_loop(0, n_l, l_body, 0)
        for cb in range(ncb):
            pltpu.make_async_copy(tbuf[cb].at[:, pl.ds(0, _BSZ)],
                                  out_slice(n_l - 1, cb),
                                  semo[cb]).wait()

    return k


def kernel(input, weight, lora_A, lora_B):
    n_b, n_l = input.shape
    idx_t = input.T.astype(jnp.int32)
    a_bf = lora_A.astype(jnp.bfloat16)
    a_dup = jax.lax.bitcast_convert_type(
        jnp.stack([a_bf, a_bf], axis=-1), jnp.int32)
    out = _make_sc_kernel(n_b, n_l)(idx_t, weight, a_dup, lora_B)
    return jnp.transpose(out, (2, 0, 1))

# --- scband reference (transcript-rebuilt; emitter-appended) ---
"""Pipeline reference for scband-lo-raembedding-49203145343679 (READ-ONLY COPY).

The authoritative reference and input builder live on the scoring server;
editing this copy changes nothing except your own understanding.
"""

import jax, jax.numpy as jnp
import numpy as np

NUM_EMBEDDINGS = 1000000
EMBEDDING_DIM = 64
LORA_RANK = 8
LORA_ALPHA = 16


def setup_inputs(seed: int = 0) -> dict:
    key = jax.random.key(seed)
    k1, k2, k3, k4 = jax.random.split(key, 4)
    inp = jax.random.randint(k1, (16384, 50), 0, NUM_EMBEDDINGS, dtype=jnp.int64 if jax.config.jax_enable_x64 else jnp.int32)
    weight = jax.random.normal(k2, (NUM_EMBEDDINGS, EMBEDDING_DIM), dtype=jnp.float32) * 0.02
    # kaiming-uniform-like init for lora_A
    bound = 1.0 / np.sqrt(LORA_RANK)
    lora_A = jax.random.uniform(k3, (NUM_EMBEDDINGS, LORA_RANK), dtype=jnp.float32, minval=-bound, maxval=bound)
    # original init is zeros; use small random values so the LoRA path is numerically nontrivial
    lora_B = jax.random.normal(k4, (LORA_RANK, EMBEDDING_DIM), dtype=jnp.float32) * 0.01
    return {"input": inp, "weight": weight, "lora_A": lora_A, "lora_B": lora_B}


def reference(input, weight, lora_A, lora_B):
    # out = F.embedding(input, weight)
    out = jnp.take(weight, input, axis=0)
    # eval mode: dropout on indices is identity
    out_lora = jnp.take(lora_A, input, axis=0)  # [B, L, r]
    out_lora = out_lora @ lora_B                # [B, L, d]
    return out + out_lora * (LORA_ALPHA / LORA_RANK)

if __name__ == "__main__":
    import jax
    _d = setup_inputs()
    print(jax.jit(kernel)(*tuple(_d.values())))

</pallas_src>

<mosaic_0001>
#map = affine_map<(d0, d1) -> (0, 0)>
#map1 = affine_map<(d0, d1) -> (0, 0, 0)>
module attributes {stable_mosaic.version = 14 : i64} {
  func.func @k(%arg0: i32, %arg1: i32, %arg2: memref<50x16384xi32, #tpu.memory_space<hbm>>, %arg3: memref<1000000x64xf32, #tpu.memory_space<hbm>>, %arg4: memref<1000000x8xi32, #tpu.memory_space<hbm>>, %arg5: memref<8x64xf32, #tpu.memory_space<hbm>>, %arg6: memref<50x64x16384xf32, #tpu.memory_space<hbm>>, %arg7: memref<50x512xi32, #tpu.memory_space<vmem>>, %arg8: memref<256x64xf32, #tpu.memory_space<vmem>>, %arg9: memref<256x64xf32, #tpu.memory_space<vmem>>, %arg10: memref<256x8xi32, #tpu.memory_space<vmem>>, %arg11: memref<256x8xi32, #tpu.memory_space<vmem>>, %arg12: memref<64x257xf32, #tpu.memory_space<vmem>>, %arg13: memref<64x257xf32, #tpu.memory_space<vmem>>, %arg14: memref<8x64xf32, #tpu.memory_space<vmem>>, %arg15: memref<!tpu.dma_semaphore, #tpu.memory_space<semaphore_mem>>, %arg16: memref<!tpu.dma_semaphore, #tpu.memory_space<semaphore_mem>>, %arg17: memref<!tpu.dma_semaphore, #tpu.memory_space<semaphore_mem>>, %arg18: memref<!tpu.dma_semaphore, #tpu.memory_space<semaphore_mem>>, %arg19: memref<!tpu.dma_semaphore, #tpu.memory_space<semaphore_mem>>, %arg20: memref<!tpu.dma_semaphore, #tpu.memory_space<semaphore_mem>>) attributes {dimension_semantics = [#tpu.dimension_semantics<core_parallel>, #tpu.dimension_semantics<subcore_parallel>], iteration_bounds = array<i64: 2, 16>, scalar_prefetch = 0 : i64, scratch_operands = 14 : i64, tpu.core_type = #tpu.core_type<sc_vector_subcore>, window_params = [{transform_indices = #map}, {transform_indices = #map}, {transform_indices = #map}, {transform_indices = #map}, {transform_indices = #map1}]} {
    %mul3A = arith.constant 2 : i32
    %mul3A_0 = arith.muli %arg1, %mul3A : i32
    %add3A = arith.addi %mul3A_0, %arg0 : i32
    %mul3A_1 = arith.constant 512 : i32
    %mul3A_2 = arith.muli %add3A, %mul3A_1 : i32
    "tpu.region"() ({
      %run_scoped3A = tpu.sem_alloc : memref<!tpu.dma_semaphore, #tpu.memory_space<semaphore_mem>>
      %dma_start3A_315 = arith.constant 0 : i32
      %dma_start3A_316 = tpu.memref_slice %arg2[%dma_start3A_315, %mul3A_2] : memref<50x16384xi32, #tpu.memory_space<hbm>> -> memref<50x512xi32, #tpu.memory_space<hbm>>
      %dma_start3A_317 = arith.constant 0 : i32
      %dma_start3A_318 = tpu.memref_slice %arg2[%dma_start3A_317, %mul3A_2] : memref<50x16384xi32, #tpu.memory_space<hbm>> -> memref<50x512xi32, #tpu.memory_space<hbm>>
      tpu.enqueue_dma source(%dma_start3A_318 : memref<50x512xi32, #tpu.memory_space<hbm>>) target(%arg7 : memref<50x512xi32, #tpu.memory_space<vmem>>) target_semaphore(%run_scoped3A : memref<!tpu.dma_semaphore, #tpu.memory_space<semaphore_mem>>)
      %dma_wait3A_319 = arith.constant 0 : i32
      %dma_wait3A_320 = tpu.memref_slice %arg2[%dma_wait3A_319, %mul3A_2] : memref<50x16384xi32, #tpu.memory_space<hbm>> -> memref<50x512xi32, #tpu.memory_space<hbm>>
      %dma_wait3A_321 = arith.constant 0 : i32
      %dma_wait3A_322 = tpu.memref_slice %arg2[%dma_wait3A_321, %mul3A_2] : memref<50x16384xi32, #tpu.memory_space<hbm>> -> memref<50x512xi32, #tpu.memory_space<hbm>>
      tpu.wait_dma2 semaphore(%run_scoped3A : memref<!tpu.dma_semaphore, #tpu.memory_space<semaphore_mem>>) src(%dma_wait3A_322 : memref<50x512xi32, #tpu.memory_space<hbm>>) dst(%arg7 : memref<50x512xi32, #tpu.memory_space<vmem>>)
      tpu.yield
    }) : () -> ()
    "tpu.region"() ({
      %run_scoped3A = tpu.sem_alloc : memref<!tpu.dma_semaphore, #tpu.memory_space<semaphore_mem>>
      tpu.enqueue_dma source(%arg5 : memref<8x64xf32, #tpu.memory_space<hbm>>) target(%arg14 : memref<8x64xf32, #tpu.memory_space<vmem>>) target_semaphore(%run_scoped3A : memref<!tpu.dma_semaphore, #tpu.memory_space<semaphore_mem>>)
      tpu.wait_dma2 semaphore(%run_scoped3A : memref<!tpu.dma_semaphore, #tpu.memory_space<semaphore_mem>>) src(%arg5 : memref<8x64xf32, #tpu.memory_space<hbm>>) dst(%arg14 : memref<8x64xf32, #tpu.memory_space<vmem>>)
      tpu.yield
    }) : () -> ()
    %get3A = arith.constant 0 : i32
    %get3A_3 = arith.index_cast %get3A : i32 to index
    %get3A_4 = arith.constant 0 : index
    %get3A_5 = tpu.vector_load %arg14[%get3A_3, %get3A_4] {strides = array<i32>} : memref<8x64xf32, #tpu.memory_space<vmem>>, vector<16xf32>,
    %mul3A_6 = arith.constant 2.000000e+00 : f32
    %mul3A_7 = vector.broadcast %mul3A_6 : f32 to vector<16xf32>
    %mul3A_8 = arith.mulf %get3A_5, %mul3A_7 : vector<16xf32>
    %get3A_9 = arith.constant 0 : i32
    %get3A_10 = arith.index_cast %get3A_9 : i32 to index
    %get3A_11 = arith.constant 16 : index
    %get3A_12 = tpu.vector_load %arg14[%get3A_10, %get3A_11] {strides = array<i32>} : memref<8x64xf32, #tpu.memory_space<vmem>>, vector<16xf32>,
    %mul3A_13 = arith.constant 2.000000e+00 : f32
    %mul3A_14 = vector.broadcast %mul3A_13 : f32 to vector<16xf32>
    %mul3A_15 = arith.mulf %get3A_12, %mul3A_14 : vector<16xf32>
    %pack3A = tpu.pack_subelements %mul3A_8, %mul3A_15 {pack_format = #tpu.pack_format<interleaved>, positions = array<i32: 0, 1>} : vector<16xf32>, vector<16xf32> -> vector<32xbf16>
    %get3A_16 = arith.constant 0 : i32
    %get3A_17 = arith.index_cast %get3A_16 : i32 to index
    %get3A_18 = arith.constant 32 : index
    %get3A_19 = tpu.vector_load %arg14[%get3A_17, %get3A_18] {strides = array<i32>} : memref<8x64xf32, #tpu.memory_space<vmem>>, vector<16xf32>,
    %mul3A_20 = arith.constant 2.000000e+00 : f32
    %mul3A_21 = vector.broadcast %mul3A_20 : f32 to vector<16xf32>
    %mul3A_22 = arith.mulf %get3A_19, %mul3A_21 : vector<16xf32>
    %get3A_23 = arith.constant 0 : i32
    %get3A_24 = arith.index_cast %get3A_23 : i32 to index
    %get3A_25 = arith.constant 48 : index
    %get3A_26 = tpu.vector_load %arg14[%get3A_24, %get3A_25] {strides = array<i32>} : memref<8x64xf32, #tpu.memory_space<vmem>>, vector<16xf32>,
    %mul3A_27 = arith.constant 2.000000e+00 : f32
    %mul3A_28 = vector.broadcast %mul3A_27 : f32 to vector<16xf32>
    %mul3A_29 = arith.mulf %get3A_26, %mul3A_28 : vector<16xf32>
    %pack3A_30 = tpu.pack_subelements %mul3A_22, %mul3A_29 {pack_format = #tpu.pack_format<interleaved>, positions = array<i32: 0, 1>} : vector<16xf32>, vector<16xf32> -> vector<32xbf16>
    %get3A_31 = arith.constant 1 : i32
    %get3A_32 = arith.index_cast %get3A_31 : i32 to index
    %get3A_33 = arith.constant 0 : index
    %get3A_34 = tpu.vector_load %arg14[%get3A_32, %get3A_33] {strides = array<i32>} : memref<8x64xf32, #tpu.memory_space<vmem>>, vector<16xf32>,
    %mul3A_35 = arith.constant 2.000000e+00 : f32
    %mul3A_36 = vector.broadcast %mul3A_35 : f32 to vector<16xf32>
    %mul3A_37 = arith.mulf %get3A_34, %mul3A_36 : vector<16xf32>
    %get3A_38 = arith.constant 1 : i32
    %get3A_39 = arith.index_cast %get3A_38 : i32 to index
    %get3A_40 = arith.constant 16 : index
    %get3A_41 = tpu.vector_load %arg14[%get3A_39, %get3A_40] {strides = array<i32>} : memref<8x64xf32, #tpu.memory_space<vmem>>, vector<16xf32>,
    %mul3A_42 = arith.constant 2.000000e+00 : f32
    %mul3A_43 = vector.broadcast %mul3A_42 : f32 to vector<16xf32>
    %mul3A_44 = arith.mulf %get3A_41, %mul3A_43 : vector<16xf32>
    %pack3A_45 = tpu.pack_subelements %mul3A_37, %mul3A_44 {pack_format = #tpu.pack_format<interleaved>, positions = array<i32: 0, 1>} : vector<16xf32>, vector<16xf32> -> vector<32xbf16>
    %get3A_46 = arith.constant 1 : i32
    %get3A_47 = arith.index_cast %get3A_46 : i32 to index
    %get3A_48 = arith.constant 32 : index
    %get3A_49 = tpu.vector_load %arg14[%get3A_47, %get3A_48] {strides = array<i32>} : memref<8x64xf32, #tpu.memory_space<vmem>>, vector<16xf32>,
    %mul3A_50 = arith.constant 2.000000e+00 : f32
    %mul3A_51 = vector.broadcast %mul3A_50 : f32 to vector<16xf32>
    %mul3A_52 = arith.mulf %get3A_49, %mul3A_51 : vector<16xf32>
    %get3A_53 = arith.constant 1 : i32
    %get3A_54 = arith.index_cast %get3A_53 : i32 to index
    %get3A_55 = arith.constant 48 : index
    %get3A_56 = tpu.vector_load %arg14[%get3A_54, %get3A_55] {strides = array<i32>} : memref<8x64xf32, #tpu.memory_space<vmem>>, vector<16xf32>,
    %mul3A_57 = arith.constant 2.000000e+00 : f32
    %mul3A_58 = vector.broadcast %mul3A_57 : f32 to vector<16xf32>
    %mul3A_59 = arith.mulf %get3A_56, %mul3A_58 : vector<16xf32>
    %pack3A_60 = tpu.pack_subelements %mul3A_52, %mul3A_59 {pack_format = #tpu.pack_format<interleaved>, positions = array<i32: 0, 1>} : vector<16xf32>, vector<16xf32> -> vector<32xbf16>
    %get3A_61 = arith.constant 2 : i32
    %get3A_62 = arith.index_cast %get3A_61 : i32 to index
    %get3A_63 = arith.constant 0 : index
    %get3A_64 = tpu.vector_load %arg14[%get3A_62, %get3A_63] {strides = array<i32>} : memref<8x64xf32, #tpu.memory_space<vmem>>, vector<16xf32>,
    %mul3A_65 = arith.constant 2.000000e+00 : f32
    %mul3A_66 = vector.broadcast %mul3A_65 : f32 to vector<16xf32>
    %mul3A_67 = arith.mulf %get3A_64, %mul3A_66 : vector<16xf32>
    %get3A_68 = arith.constant 2 : i32
    %get3A_69 = arith.index_cast %get3A_68 : i32 to index
    %get3A_70 = arith.constant 16 : index
    %get3A_71 = tpu.vector_load %arg14[%get3A_69, %get3A_70] {strides = array<i32>} : memref<8x64xf32, #tpu.memory_space<vmem>>, vector<16xf32>,
    %mul3A_72 = arith.constant 2.000000e+00 : f32
    %mul3A_73 = vector.broadcast %mul3A_72 : f32 to vector<16xf32>
    %mul3A_74 = arith.mulf %get3A_71, %mul3A_73 : vector<16xf32>
    %pack3A_75 = tpu.pack_subelements %mul3A_67, %mul3A_74 {pack_format = #tpu.pack_format<interleaved>, positions = array<i32: 0, 1>} : vector<16xf32>, vector<16xf32> -> vector<32xbf16>
    %get3A_76 = arith.constant 2 : i32
    %get3A_77 = arith.index_cast %get3A_76 : i32 to index
    %get3A_78 = arith.constant 32 : index
    %get3A_79 = tpu.vector_load %arg14[%get3A_77, %get3A_78] {strides = array<i32>} : memref<8x64xf32, #tpu.memory_space<vmem>>, vector<16xf32>,
    %mul3A_80 = arith.constant 2.000000e+00 : f32
    %mul3A_81 = vector.broadcast %mul3A_80 : f32 to vector<16xf32>
    %mul3A_82 = arith.mulf %get3A_79, %mul3A_81 : vector<16xf32>
    %get3A_83 = arith.constant 2 : i32
    %get3A_84 = arith.index_cast %get3A_83 : i32 to index
    %get3A_85 = arith.constant 48 : index
    %get3A_86 = tpu.vector_load %arg14[%get3A_84, %get3A_85] {strides = array<i32>} : memref<8x64xf32, #tpu.memory_space<vmem>>, vector<16xf32>,
    %mul3A_87 = arith.constant 2.000000e+00 : f32
    %mul3A_88 = vector.broadcast %mul3A_87 : f32 to vector<16xf32>
    %mul3A_89 = arith.mulf %get3A_86, %mul3A_88 : vector<16xf32>
    %pack3A_90 = tpu.pack_subelements %mul3A_82, %mul3A_89 {pack_format = #tpu.pack_format<interleaved>, positions = array<i32: 0, 1>} : vector<16xf32>, vector<16xf32> -> vector<32xbf16>
    %get3A_91 = arith.constant 3 : i32
    %get3A_92 = arith.index_cast %get3A_91 : i32 to index
    %get3A_93 = arith.constant 0 : index
    %get3A_94 = tpu.vector_load %arg14[%get3A_92, %get3A_93] {strides = array<i32>} : memref<8x64xf32, #tpu.memory_space<vmem>>, vector<16xf32>,
    %mul3A_95 = arith.constant 2.000000e+00 : f32
    %mul3A_96 = vector.broadcast %mul3A_95 : f32 to vector<16xf32>
    %mul3A_97 = arith.mulf %get3A_94, %mul3A_96 : vector<16xf32>
    %get3A_98 = arith.constant 3 : i32
    %get3A_99 = arith.index_cast %get3A_98 : i32 to index
    %get3A_100 = arith.constant 16 : index
    %get3A_101 = tpu.vector_load %arg14[%get3A_99, %get3A_100] {strides = array<i32>} : memref<8x64xf32, #tpu.memory_space<vmem>>, vector<16xf32>,
    %mul3A_102 = arith.constant 2.000000e+00 : f32
    %mul3A_103 = vector.broadcast %mul3A_102 : f32 to vector<16xf32>
    %mul3A_104 = arith.mulf %get3A_101, %mul3A_103 : vector<16xf32>
    %pack3A_105 = tpu.pack_subelements %mul3A_97, %mul3A_104 {pack_format = #tpu.pack_format<interleaved>, positions = array<i32: 0, 1>} : vector<16xf32>, vector<16xf32> -> vector<32xbf16>
    %get3A_106 = arith.constant 3 : i32
    %get3A_107 = arith.index_cast %get3A_106 : i32 to index
    %get3A_108 = arith.constant 32 : index
    %get3A_109 = tpu.vector_load %arg14[%get3A_107, %get3A_108] {strides = array<i32>} : memref<8x64xf32, #tpu.memory_space<vmem>>, vector<16xf32>,
    %mul3A_110 = arith.constant 2.000000e+00 : f32
    %mul3A_111 = vector.broadcast %mul3A_110 : f32 to vector<16xf32>
    %mul3A_112 = arith.mulf %get3A_109, %mul3A_111 : vector<16xf32>
    %get3A_113 = arith.constant 3 : i32
    %get3A_114 = arith.index_cast %get3A_113 : i32 to index
    %get3A_115 = arith.constant 48 : index
    %get3A_116 = tpu.vector_load %arg14[%get3A_114, %get3A_115] {strides = array<i32>} : memref<8x64xf32, #tpu.memory_space<vmem>>, vector<16xf32>,
    %mul3A_117 = arith.constant 2.000000e+00 : f32
    %mul3A_118 = vector.broadcast %mul3A_117 : f32 to vector<16xf32>
    %mul3A_119 = arith.mulf %get3A_116, %mul3A_118 : vector<16xf32>
    %pack3A_120 = tpu.pack_subelements %mul3A_112, %mul3A_119 {pack_format = #tpu.pack_format<interleaved>, positions = array<i32: 0, 1>} : vector<16xf32>, vector<16xf32> -> vector<32xbf16>
    %get3A_121 = arith.constant 4 : i32
    %get3A_122 = arith.index_cast %get3A_121 : i32 to index
    %get3A_123 = arith.constant 0 : index
    %get3A_124 = tpu.vector_load %arg14[%get3A_122, %get3A_123] {strides = array<i32>} : memref<8x64xf32, #tpu.memory_space<vmem>>, vector<16xf32>,
    %mul3A_125 = arith.constant 2.000000e+00 : f32
    %mul3A_126 = vector.broadcast %mul3A_125 : f32 to vector<16xf32>
    %mul3A_127 = arith.mulf %get3A_124, %mul3A_126 : vector<16xf32>
    %get3A_128 = arith.constant 4 : i32
    %get3A_129 = arith.index_cast %get3A_128 : i32 to index
    %get3A_130 = arith.constant 16 : index
    %get3A_131 = tpu.vector_load %arg14[%get3A_129, %get3A_130] {strides = array<i32>} : memref<8x64xf32, #tpu.memory_space<vmem>>, vector<16xf32>,
    %mul3A_132 = arith.constant 2.000000e+00 : f32
    %mul3A_133 = vector.broadcast %mul3A_132 : f32 to vector<16xf32>
    %mul3A_134 = arith.mulf %get3A_131, %mul3A_133 : vector<16xf32>
    %pack3A_135 = tpu.pack_subelements %mul3A_127, %mul3A_134 {pack_format = #tpu.pack_format<interleaved>, positions = array<i32: 0, 1>} : vector<16xf32>, vector<16xf32> -> vector<32xbf16>
    %get3A_136 = arith.constant 4 : i32
    %get3A_137 = arith.index_cast %get3A_136 : i32 to index
    %get3A_138 = arith.constant 32 : index
    %get3A_139 = tpu.vector_load %arg14[%get3A_137, %get3A_138] {strides = array<i32>} : memref<8x64xf32, #tpu.memory_space<vmem>>, vector<16xf32>,
    %mul3A_140 = arith.constant 2.000000e+00 : f32
    %mul3A_141 = vector.broadcast %mul3A_140 : f32 to vector<16xf32>
    %mul3A_142 = arith.mulf %get3A_139, %mul3A_141 : vector<16xf32>
    %get3A_143 = arith.constant 4 : i32
    %get3A_144 = arith.index_cast %get3A_143 : i32 to index
    %get3A_145 = arith.constant 48 : index
    %get3A_146 = tpu.vector_load %arg14[%get3A_144, %get3A_145] {strides = array<i32>} : memref<8x64xf32, #tpu.memory_space<vmem>>, vector<16xf32>,
    %mul3A_147 = arith.constant 2.000000e+00 : f32
    %mul3A_148 = vector.broadcast %mul3A_147 : f32 to vector<16xf32>
    %mul3A_149 = arith.mulf %get3A_146, %mul3A_148 : vector<16xf32>
    %pack3A_150 = tpu.pack_subelements %mul3A_142, %mul3A_149 {pack_format = #tpu.pack_format<interleaved>, positions = array<i32: 0, 1>} : vector<16xf32>, vector<16xf32> -> vector<32xbf16>
    %get3A_151 = arith.constant 5 : i32
    %get3A_152 = arith.index_cast %get3A_151 : i32 to index
    %get3A_153 = arith.constant 0 : index
    %get3A_154 = tpu.vector_load %arg14[%get3A_152, %get3A_153] {strides = array<i32>} : memref<8x64xf32, #tpu.memory_space<vmem>>, vector<16xf32>,
    %mul3A_155 = arith.constant 2.000000e+00 : f32
    %mul3A_156 = vector.broadcast %mul3A_155 : f32 to vector<16xf32>
    %mul3A_157 = arith.mulf %get3A_154, %mul3A_156 : vector<16xf32>
    %get3A_158 = arith.constant 5 : i32
    %get3A_159 = arith.index_cast %get3A_158 : i32 to index
    %get3A_160 = arith.constant 16 : index
    %get3A_161 = tpu.vector_load %arg14[%get3A_159, %get3A_160] {strides = array<i32>} : memref<8x64xf32, #tpu.memory_space<vmem>>, vector<16xf32>,
    %mul3A_162 = arith.constant 2.000000e+00 : f32
    %mul3A_163 = vector.broadcast %mul3A_162 : f32 to vector<16xf32>
    %mul3A_164 = arith.mulf %get3A_161, %mul3A_163 : vector<16xf32>
    %pack3A_165 = tpu.pack_subelements %mul3A_157, %mul3A_164 {pack_format = #tpu.pack_format<interleaved>, positions = array<i32: 0, 1>} : vector<16xf32>, vector<16xf32> -> vector<32xbf16>
    %get3A_166 = arith.constant 5 : i32
    %get3A_167 = arith.index_cast %get3A_166 : i32 to index
    %get3A_168 = arith.constant 32 : index
    %get3A_169 = tpu.vector_load %arg14[%get3A_167, %get3A_168] {strides = array<i32>} : memref<8x64xf32, #tpu.memory_space<vmem>>, vector<16xf32>,
    %mul3A_170 = arith.constant 2.000000e+00 : f32
    %mul3A_171 = vector.broadcast %mul3A_170 : f32 to vector<16xf32>
    %mul3A_172 = arith.mulf %get3A_169, %mul3A_171 : vector<16xf32>
    %get3A_173 = arith.constant 5 : i32
    %get3A_174 = arith.index_cast %get3A_173 : i32 to index
    %get3A_175 = arith.constant 48 : index
    %get3A_176 = tpu.vector_load %arg14[%get3A_174, %get3A_175] {strides = array<i32>} : memref<8x64xf32, #tpu.memory_space<vmem>>, vector<16xf32>,
    %mul3A_177 = arith.constant 2.000000e+00 : f32
    %mul3A_178 = vector.broadcast %mul3A_177 : f32 to vector<16xf32>
    %mul3A_179 = arith.mulf %get3A_176, %mul3A_178 : vector<16xf32>
    %pack3A_180 = tpu.pack_subelements %mul3A_172, %mul3A_179 {pack_format = #tpu.pack_format<interleaved>, positions = array<i32: 0, 1>} : vector<16xf32>, vector<16xf32> -> vector<32xbf16>
    %get3A_181 = arith.constant 6 : i32
    %get3A_182 = arith.index_cast %get3A_181 : i32 to index
    %get3A_183 = arith.constant 0 : index
    %get3A_184 = tpu.vector_load %arg14[%get3A_182, %get3A_183] {strides = array<i32>} : memref<8x64xf32, #tpu.memory_space<vmem>>, vector<16xf32>,
    %mul3A_185 = arith.constant 2.000000e+00 : f32
    %mul3A_186 = vector.broadcast %mul3A_185 : f32 to vector<16xf32>
    %mul3A_187 = arith.mulf %get3A_184, %mul3A_186 : vector<16xf32>
    %get3A_188 = arith.constant 6 : i32
    %get3A_189 = arith.index_cast %get3A_188 : i32 to index
    %get3A_190 = arith.constant 16 : index
    %get3A_191 = tpu.vector_load %arg14[%get3A_189, %get3A_190] {strides = array<i32>} : memref<8x64xf32, #tpu.memory_space<vmem>>, vector<16xf32>,
    %mul3A_192 = arith.constant 2.000000e+00 : f32
    %mul3A_193 = vector.broadcast %mul3A_192 : f32 to vector<16xf32>
    %mul3A_194 = arith.mulf %get3A_191, %mul3A_193 : vector<16xf32>
    %pack3A_195 = tpu.pack_subelements %mul3A_187, %mul3A_194 {pack_format = #tpu.pack_format<interleaved>, positions = array<i32: 0, 1>} : vector<16xf32>, vector<16xf32> -> vector<32xbf16>
    %get3A_196 = arith.constant 6 : i32
    %get3A_197 = arith.index_cast %get3A_196 : i32 to index
    %get3A_198 = arith.constant 32 : index
    %get3A_199 = tpu.vector_load %arg14[%get3A_197, %get3A_198] {strides = array<i32>} : memref<8x64xf32, #tpu.memory_space<vmem>>, vector<16xf32>,
    %mul3A_200 = arith.constant 2.000000e+00 : f32
    %mul3A_201 = vector.broadcast %mul3A_200 : f32 to vector<16xf32>
    %mul3A_202 = arith.mulf %get3A_199, %mul3A_201 : vector<16xf32>
    %get3A_203 = arith.constant 6 : i32
    %get3A_204 = arith.index_cast %get3A_203 : i32 to index
    %get3A_205 = arith.constant 48 : index
    %get3A_206 = tpu.vector_load %arg14[%get3A_204, %get3A_205] {strides = array<i32>} : memref<8x64xf32, #tpu.memory_space<vmem>>, vector<16xf32>,
    %mul3A_207 = arith.constant 2.000000e+00 : f32
    %mul3A_208 = vector.broadcast %mul3A_207 : f32 to vector<16xf32>
    %mul3A_209 = arith.mulf %get3A_206, %mul3A_208 : vector<16xf32>
    %pack3A_210 = tpu.pack_subelements %mul3A_202, %mul3A_209 {pack_format = #tpu.pack_format<interleaved>, positions = array<i32: 0, 1>} : vector<16xf32>, vector<16xf32> -> vector<32xbf16>
    %get3A_211 = arith.constant 7 : i32
    %get3A_212 = arith.index_cast %get3A_211 : i32 to index
    %get3A_213 = arith.constant 0 : index
    %get3A_214 = tpu.vector_load %arg14[%get3A_212, %get3A_213] {strides = array<i32>} : memref<8x64xf32, #tpu.memory_space<vmem>>, vector<16xf32>,
    %mul3A_215 = arith.constant 2.000000e+00 : f32
    %mul3A_216 = vector.broadcast %mul3A_215 : f32 to vector<16xf32>
    %mul3A_217 = arith.mulf %get3A_214, %mul3A_216 : vector<16xf32>
    %get3A_218 = arith.constant 7 : i32
    %get3A_219 = arith.index_cast %get3A_218 : i32 to index
    %get3A_220 = arith.constant 16 : index
    %get3A_221 = tpu.vector_load %arg14[%get3A_219, %get3A_220] {strides = array<i32>} : memref<8x64xf32, #tpu.memory_space<vmem>>, vector<16xf32>,
    %mul3A_222 = arith.constant 2.000000e+00 : f32
    %mul3A_223 = vector.broadcast %mul3A_222 : f32 to vector<16xf32>
    %mul3A_224 = arith.mulf %get3A_221, %mul3A_223 : vector<16xf32>
    %pack3A_225 = tpu.pack_subelements %mul3A_217, %mul3A_224 {pack_format = #tpu.pack_format<interleaved>, positions = array<i32: 0, 1>} : vector<16xf32>, vector<16xf32> -> vector<32xbf16>
    %get3A_226 = arith.constant 7 : i32
    %get3A_227 = arith.index_cast %get3A_226 : i32 to index
    %get3A_228 = arith.constant 32 : index
    %get3A_229 = tpu.vector_load %arg14[%get3A_227, %get3A_228] {strides = array<i32>} : memref<8x64xf32, #tpu.memory_space<vmem>>, vector<16xf32>,
    %mul3A_230 = arith.constant 2.000000e+00 : f32
    %mul3A_231 = vector.broadcast %mul3A_230 : f32 to vector<16xf32>
    %mul3A_232 = arith.mulf %get3A_229, %mul3A_231 : vector<16xf32>
    %get3A_233 = arith.constant 7 : i32
    %get3A_234 = arith.index_cast %get3A_233 : i32 to index
    %get3A_235 = arith.constant 48 : index
    %get3A_236 = tpu.vector_load %arg14[%get3A_234, %get3A_235] {strides = array<i32>} : memref<8x64xf32, #tpu.memory_space<vmem>>, vector<16xf32>,
    %mul3A_237 = arith.constant 2.000000e+00 : f32
    %mul3A_238 = vector.broadcast %mul3A_237 : f32 to vector<16xf32>
    %mul3A_239 = arith.mulf %get3A_236, %mul3A_238 : vector<16xf32>
    %pack3A_240 = tpu.pack_subelements %mul3A_232, %mul3A_239 {pack_format = #tpu.pack_format<interleaved>, positions = array<i32: 0, 1>} : vector<16xf32>, vector<16xf32> -> vector<32xbf16>
    %broadcast_in_dim3A = arith.constant 0 : i32
    %broadcast_in_dim3A_241 = vector.broadcast %broadcast_in_dim3A : i32 to vector<16xi32>
    %broadcast_in_dim3A_242 = arith.constant 1 : i32
    %broadcast_in_dim3A_243 = vector.broadcast %broadcast_in_dim3A_242 : i32 to vector<16xi32>
    %broadcast_in_dim3A_244 = arith.constant 2 : i32
    %broadcast_in_dim3A_245 = vector.broadcast %broadcast_in_dim3A_244 : i32 to vector<16xi32>
    %broadcast_in_dim3A_246 = arith.constant 3 : i32
    %broadcast_in_dim3A_247 = vector.broadcast %broadcast_in_dim3A_246 : i32 to vector<16xi32>
    %broadcast_in_dim3A_248 = arith.constant 4 : i32
    %broadcast_in_dim3A_249 = vector.broadcast %broadcast_in_dim3A_248 : i32 to vector<16xi32>
    %broadcast_in_dim3A_250 = arith.constant 5 : i32
    %broadcast_in_dim3A_251 = vector.broadcast %broadcast_in_dim3A_250 : i32 to vector<16xi32>
    %broadcast_in_dim3A_252 = arith.constant 6 : i32
    %broadcast_in_dim3A_253 = vector.broadcast %broadcast_in_dim3A_252 : i32 to vector<16xi32>
    %broadcast_in_dim3A_254 = arith.constant 7 : i32
    %broadcast_in_dim3A_255 = vector.broadcast %broadcast_in_dim3A_254 : i32 to vector<16xi32>
    %iota3A = tpu.iota {dimensions = array<i32: 0>} : vector<16xi32>
    %add3A_256 = arith.constant 0 : i32
    %add3A_257 = vector.broadcast %add3A_256 : i32 to vector<16xi32>
    %add3A_258 = arith.addi %iota3A, %add3A_257 : vector<16xi32>
    %add3A_259 = arith.constant 16 : i32
    %add3A_260 = vector.broadcast %add3A_259 : i32 to vector<16xi32>
    %add3A_261 = arith.addi %iota3A, %add3A_260 : vector<16xi32>
    %add3A_262 = arith.constant 32 : i32
    %add3A_263 = vector.broadcast %add3A_262 : i32 to vector<16xi32>
    %add3A_264 = arith.addi %iota3A, %add3A_263 : vector<16xi32>
    %add3A_265 = arith.constant 48 : i32
    %add3A_266 = vector.broadcast %add3A_265 : i32 to vector<16xi32>
    %add3A_267 = arith.addi %iota3A, %add3A_266 : vector<16xi32>
    %dma_start3A = arith.constant 0 : i32
    %dma_start3A_268 = arith.constant 0 : i32
    %dma_start3A_269 = tpu.memref_slice %arg7[%dma_start3A, %dma_start3A_268] : memref<50x512xi32, #tpu.memory_space<vmem>> -> memref<1x256xi32, #tpu.memory_space<vmem>>
    %dma_start3A_270 = tpu.memref_squeeze %dma_start3A_269 : memref<1x256xi32, #tpu.memory_space<vmem>> -> memref<256xi32, #tpu.memory_space<vmem>>
    %dma_start3A_271 = arith.constant 0 : i32
    %dma_start3A_272 = arith.constant 0 : i32
    %dma_start3A_273 = tpu.memref_slice %arg3[%dma_start3A_271, %dma_start3A_272] : memref<1000000x64xf32, #tpu.memory_space<hbm>> -> memref<1000000x64xf32, #tpu.memory_space<hbm>>
    tpu.enqueue_indirect_dma source(%dma_start3A_273 : memref<1000000x64xf32, #tpu.memory_space<hbm>>) target(%arg8 : memref<256x64xf32, #tpu.memory_space<vmem>>) offsets(%dma_start3A_270 : memref<256xi32, #tpu.memory_space<vmem>>) semaphore(%arg15 : memref<!tpu.dma_semaphore, #tpu.memory_space<semaphore_mem>>)
    %dma_start3A_274 = arith.constant 0 : i32
    %dma_start3A_275 = arith.constant 0 : i32
    %dma_start3A_276 = tpu.memref_slice %arg7[%dma_start3A_274, %dma_start3A_275] : memref<50x512xi32, #tpu.memory_space<vmem>> -> memref<1x256xi32, #tpu.memory_space<vmem>>
    %dma_start3A_277 = tpu.memref_squeeze %dma_start3A_276 : memref<1x256xi32, #tpu.memory_space<vmem>> -> memref<256xi32, #tpu.memory_space<vmem>>
    %dma_start3A_278 = arith.constant 0 : i32
    %dma_start3A_279 = arith.constant 0 : i32
    %dma_start3A_280 = tpu.memref_slice %arg4[%dma_start3A_278, %dma_start3A_279] : memref<1000000x8xi32, #tpu.memory_space<hbm>> -> memref<1000000x8xi32, #tpu.memory_space<hbm>>
    tpu.enqueue_indirect_dma source(%dma_start3A_280 : memref<1000000x8xi32, #tpu.memory_space<hbm>>) target(%arg10 : memref<256x8xi32, #tpu.memory_space<vmem>>) offsets(%dma_start3A_277 : memref<256xi32, #tpu.memory_space<vmem>>) semaphore(%arg17 : memref<!tpu.dma_semaphore, #tpu.memory_space<semaphore_mem>>)
    %scan3A = arith.constant 0 : i32
    %scan3A_281 = arith.constant 0 : i32
    %scan3A_282 = arith.constant 50 : i32
    %scan3A_283 = arith.addi %scan3A_281, %scan3A_282 : i32
    %scan3A_284 = arith.constant 1 : i32
    scf.for %scan3A_315 = %scan3A_281 to %scan3A_283 step %scan3A_284  : i32 {
      %dma_start3A_316 = arith.constant 256 : i32
      %dma_start3A_317 = tpu.memref_slice %arg7[%scan3A_315, %dma_start3A_316] : memref<50x512xi32, #tpu.memory_space<vmem>> -> memref<1x256xi32, #tpu.memory_space<vmem>>
      %dma_start3A_318 = tpu.memref_squeeze %dma_start3A_317 : memref<1x256xi32, #tpu.memory_space<vmem>> -> memref<256xi32, #tpu.memory_space<vmem>>
      %dma_start3A_319 = arith.constant 0 : i32
      %dma_start3A_320 = arith.constant 0 : i32
      %dma_start3A_321 = tpu.memref_slice %arg3[%dma_start3A_319, %dma_start3A_320] : memref<1000000x64xf32, #tpu.memory_space<hbm>> -> memref<1000000x64xf32, #tpu.memory_space<hbm>>
      tpu.enqueue_indirect_dma source(%dma_start3A_321 : memref<1000000x64xf32, #tpu.memory_space<hbm>>) target(%arg9 : memref<256x64xf32, #tpu.memory_space<vmem>>) offsets(%dma_start3A_318 : memref<256xi32, #tpu.memory_space<vmem>>) semaphore(%arg16 : memref<!tpu.dma_semaphore, #tpu.memory_space<semaphore_mem>>)
      %dma_start3A_322 = arith.constant 256 : i32
      %dma_start3A_323 = tpu.memref_slice %arg7[%scan3A_315, %dma_start3A_322] : memref<50x512xi32, #tpu.memory_space<vmem>> -> memref<1x256xi32, #tpu.memory_space<vmem>>
      %dma_start3A_324 = tpu.memref_squeeze %dma_start3A_323 : memref<1x256xi32, #tpu.memory_space<vmem>> -> memref<256xi32, #tpu.memory_space<vmem>>
      %dma_start3A_325 = arith.constant 0 : i32
      %dma_start3A_326 = arith.constant 0 : i32
      %dma_start3A_327 = tpu.memref_slice %arg4[%dma_start3A_325, %dma_start3A_326] : memref<1000000x8xi32, #tpu.memory_space<hbm>> -> memref<1000000x8xi32, #tpu.memory_space<hbm>>
      tpu.enqueue_indirect_dma source(%dma_start3A_327 : memref<1000000x8xi32, #tpu.memory_space<hbm>>) target(%arg11 : memref<256x8xi32, #tpu.memory_space<vmem>>) offsets(%dma_start3A_324 : memref<256xi32, #tpu.memory_space<vmem>>) semaphore(%arg18 : memref<!tpu.dma_semaphore, #tpu.memory_space<semaphore_mem>>)
      %dma_wait3A_328 = arith.constant 0 : i32
      %dma_wait3A_329 = tpu.memref_slice %arg7[%scan3A_315, %dma_wait3A_328] : memref<50x512xi32, #tpu.memory_space<vmem>> -> memref<1x256xi32, #tpu.memory_space<vmem>>
      %dma_wait3A_330 = tpu.memref_squeeze %dma_wait3A_329 : memref<1x256xi32, #tpu.memory_space<vmem>> -> memref<256xi32, #tpu.memory_space<vmem>>
      %dma_wait3A_331 = arith.constant 0 : i32
      %dma_wait3A_332 = arith.constant 0 : i32
      %dma_wait3A_333 = tpu.memref_slice %arg3[%dma_wait3A_331, %dma_wait3A_332] : memref<1000000x64xf32, #tpu.memory_space<hbm>> -> memref<1000000x64xf32, #tpu.memory_space<hbm>>
      tpu.wait_indirect_dma semaphore(%arg15 : memref<!tpu.dma_semaphore, #tpu.memory_space<semaphore_mem>>) src(%dma_wait3A_333 : memref<1000000x64xf32, #tpu.memory_space<hbm>>) dst(%arg8 : memref<256x64xf32, #tpu.memory_space<vmem>>)
      %dma_wait3A_334 = arith.constant 0 : i32
      %dma_wait3A_335 = tpu.memref_slice %arg7[%scan3A_315, %dma_wait3A_334] : memref<50x512xi32, #tpu.memory_space<vmem>> -> memref<1x256xi32, #tpu.memory_space<vmem>>
      %dma_wait3A_336 = tpu.memref_squeeze %dma_wait3A_335 : memref<1x256xi32, #tpu.memory_space<vmem>> -> memref<256xi32, #tpu.memory_space<vmem>>
      %dma_wait3A_337 = arith.constant 0 : i32
      %dma_wait3A_338 = arith.constant 0 : i32
      %dma_wait3A_339 = tpu.memref_slice %arg4[%dma_wait3A_337, %dma_wait3A_338] : memref<1000000x8xi32, #tpu.memory_space<hbm>> -> memref<1000000x8xi32, #tpu.memory_space<hbm>>
      tpu.wait_indirect_dma semaphore(%arg17 : memref<!tpu.dma_semaphore, #tpu.memory_space<semaphore_mem>>) src(%dma_wait3A_339 : memref<1000000x8xi32, #tpu.memory_space<hbm>>) dst(%arg10 : memref<256x8xi32, #tpu.memory_space<vmem>>)
      %gt3A = arith.constant 0 : i32
      %gt3A_340 = arith.cmpi sgt, %scan3A_315, %gt3A : i32
      %convert_element_type3A = arith.extui %gt3A_340 : i1 to i32
      %cond3A = arith.constant 0 : i32
      %cond3A_341 = arith.cmpi ne, %convert_element_type3A, %cond3A : i32
      scf.if %cond3A_341 {
        %sub3A = arith.constant 1 : i32
        %sub3A_398 = arith.subi %scan3A_315, %sub3A : i32
        %add3A_399 = arith.constant 0 : i32
        %add3A_400 = arith.addi %mul3A_2, %add3A_399 : i32
        %dma_wait3A_401 = arith.constant 0 : i32
        %dma_wait3A_402 = arith.constant 0 : i32
        %dma_wait3A_403 = tpu.memref_slice %arg12[%dma_wait3A_401, %dma_wait3A_402] : memref<64x257xf32, #tpu.memory_space<vmem>> -> memref<64x256xf32, #tpu.memory_space<vmem>>
        %dma_wait3A_404 = arith.constant 0 : i32
        %dma_wait3A_405 = tpu.memref_slice %arg6[%sub3A_398, %dma_wait3A_404, %add3A_400] : memref<50x64x16384xf32, #tpu.memory_space<hbm>> -> memref<1x64x256xf32, #tpu.memory_space<hbm>>
        %dma_wait3A_406 = tpu.memref_squeeze %dma_wait3A_405 : memref<1x64x256xf32, #tpu.memory_space<hbm>> -> memref<64x256xf32, #tpu.memory_space<hbm>>
        %dma_wait3A_407 = arith.constant 0 : i32
        %dma_wait3A_408 = tpu.memref_slice %arg6[%sub3A_398, %dma_wait3A_407, %add3A_400] : memref<50x64x16384xf32, #tpu.memory_space<hbm>> -> memref<1x64x256xf32, #tpu.memory_space<hbm>>
        %dma_wait3A_409 = tpu.memref_squeeze %dma_wait3A_408 : memref<1x64x256xf32, #tpu.memory_space<hbm>> -> memref<64x256xf32, #tpu.memory_space<hbm>>
        %dma_wait3A_410 = arith.constant 0 : i32
        %dma_wait3A_411 = arith.constant 0 : i32
        %dma_wait3A_412 = tpu.memref_slice %arg12[%dma_wait3A_410, %dma_wait3A_411] : memref<64x257xf32, #tpu.memory_space<vmem>> -> memref<64x256xf32, #tpu.memory_space<vmem>>
        tpu.wait_dma2 semaphore(%arg19 : memref<!tpu.dma_semaphore, #tpu.memory_space<semaphore_mem>>) src(%dma_wait3A_412 : memref<64x256xf32, #tpu.memory_space<vmem>>) dst(%dma_wait3A_409 : memref<64x256xf32, #tpu.memory_space<hbm>>)
      } else {
      }
      %parallel_loop3A = arith.constant 0 : i32
      %parallel_loop3A_342 = arith.constant 256 : i32
      %parallel_loop3A_343 = arith.constant 1 : i32
      scf.for %parallel_loop3A_398 = %parallel_loop3A to %parallel_loop3A_342 step %parallel_loop3A_343  : i32 {
        %parallel_loop3A_399 = vector.broadcast %parallel_loop3A_398 : i32 to vector<16xi32>
        %parallel_loop3A_400 = tpu.vector_load_idx %arg10[%parallel_loop3A_399, %broadcast_in_dim3A_241] : memref<256x8xi32, #tpu.memory_space<vmem>>[vector<16xi32>, vector<16xi32>], vector<16xi32>,
        %parallel_loop3A_401 = vector.bitcast %parallel_loop3A_400 : vector<16xi32> to vector<32xbf16>
        %parallel_loop3A_402 = tpu.vector_load_idx %arg10[%parallel_loop3A_399, %broadcast_in_dim3A_243] : memref<256x8xi32, #tpu.memory_space<vmem>>[vector<16xi32>, vector<16xi32>], vector<16xi32>,
        %parallel_loop3A_403 = vector.bitcast %parallel_loop3A_402 : vector<16xi32> to vector<32xbf16>
        %parallel_loop3A_404 = tpu.vector_load_idx %arg10[%parallel_loop3A_399, %broadcast_in_dim3A_245] : memref<256x8xi32, #tpu.memory_space<vmem>>[vector<16xi32>, vector<16xi32>], vector<16xi32>,
        %parallel_loop3A_405 = vector.bitcast %parallel_loop3A_404 : vector<16xi32> to vector<32xbf16>
        %parallel_loop3A_406 = tpu.vector_load_idx %arg10[%parallel_loop3A_399, %broadcast_in_dim3A_247] : memref<256x8xi32, #tpu.memory_space<vmem>>[vector<16xi32>, vector<16xi32>], vector<16xi32>,
        %parallel_loop3A_407 = vector.bitcast %parallel_loop3A_406 : vector<16xi32> to vector<32xbf16>
        %parallel_loop3A_408 = tpu.vector_load_idx %arg10[%parallel_loop3A_399, %broadcast_in_dim3A_249] : memref<256x8xi32, #tpu.memory_space<vmem>>[vector<16xi32>, vector<16xi32>], vector<16xi32>,
        %parallel_loop3A_409 = vector.bitcast %parallel_loop3A_408 : vector<16xi32> to vector<32xbf16>
        %parallel_loop3A_410 = tpu.vector_load_idx %arg10[%parallel_loop3A_399, %broadcast_in_dim3A_251] : memref<256x8xi32, #tpu.memory_space<vmem>>[vector<16xi32>, vector<16xi32>], vector<16xi32>,
        %parallel_loop3A_411 = vector.bitcast %parallel_loop3A_410 : vector<16xi32> to vector<32xbf16>
        %parallel_loop3A_412 = tpu.vector_load_idx %arg10[%parallel_loop3A_399, %broadcast_in_dim3A_253] : memref<256x8xi32, #tpu.memory_space<vmem>>[vector<16xi32>, vector<16xi32>], vector<16xi32>,
        %parallel_loop3A_413 = vector.bitcast %parallel_loop3A_412 : vector<16xi32> to vector<32xbf16>
        %parallel_loop3A_414 = tpu.vector_load_idx %arg10[%parallel_loop3A_399, %broadcast_in_dim3A_255] : memref<256x8xi32, #tpu.memory_space<vmem>>[vector<16xi32>, vector<16xi32>], vector<16xi32>,
        %parallel_loop3A_415 = vector.bitcast %parallel_loop3A_414 : vector<16xi32> to vector<32xbf16>
        %parallel_loop3A_416 = arith.mulf %parallel_loop3A_401, %pack3A : vector<32xbf16>
        %parallel_loop3A_417 = arith.mulf %parallel_loop3A_403, %pack3A_45 : vector<32xbf16>
        %parallel_loop3A_418 = arith.addf %parallel_loop3A_416, %parallel_loop3A_417 : vector<32xbf16>
        %parallel_loop3A_419 = arith.mulf %parallel_loop3A_405, %pack3A_75 : vector<32xbf16>
        %parallel_loop3A_420 = arith.addf %parallel_loop3A_418, %parallel_loop3A_419 : vector<32xbf16>
        %parallel_loop3A_421 = arith.mulf %parallel_loop3A_407, %pack3A_105 : vector<32xbf16>
        %parallel_loop3A_422 = arith.addf %parallel_loop3A_420, %parallel_loop3A_421 : vector<32xbf16>
        %parallel_loop3A_423 = arith.mulf %parallel_loop3A_409, %pack3A_135 : vector<32xbf16>
        %parallel_loop3A_424 = arith.addf %parallel_loop3A_422, %parallel_loop3A_423 : vector<32xbf16>
        %parallel_loop3A_425 = arith.mulf %parallel_loop3A_411, %pack3A_165 : vector<32xbf16>
        %parallel_loop3A_426 = arith.addf %parallel_loop3A_424, %parallel_loop3A_425 : vector<32xbf16>
        %parallel_loop3A_427 = arith.mulf %parallel_loop3A_413, %pack3A_195 : vector<32xbf16>
        %parallel_loop3A_428 = arith.addf %parallel_loop3A_426, %parallel_loop3A_427 : vector<32xbf16>
        %parallel_loop3A_429 = arith.mulf %parallel_loop3A_415, %pack3A_225 : vector<32xbf16>
        %parallel_loop3A_430 = arith.addf %parallel_loop3A_428, %parallel_loop3A_429 : vector<32xbf16>
        %parallel_loop3A_431 = tpu.unpack_subelements %parallel_loop3A_430, 0 {pack_format = #tpu.pack_format<interleaved>} : vector<32xbf16> -> vector<16xf32>
        %parallel_loop3A_432 = tpu.unpack_subelements %parallel_loop3A_430, 1 {pack_format = #tpu.pack_format<interleaved>} : vector<32xbf16> -> vector<16xf32>
        %parallel_loop3A_433 = arith.index_cast %parallel_loop3A_398 : i32 to index
        %parallel_loop3A_434 = arith.constant 0 : index
        %parallel_loop3A_435 = tpu.vector_load %arg8[%parallel_loop3A_433, %parallel_loop3A_434] {strides = array<i32>} : memref<256x64xf32, #tpu.memory_space<vmem>>, vector<16xf32>,
        %parallel_loop3A_436 = arith.addf %parallel_loop3A_435, %parallel_loop3A_431 : vector<16xf32>
        tpu.vector_store_idx %arg12[%add3A_258, %parallel_loop3A_399], %parallel_loop3A_436 : memref<64x257xf32, #tpu.memory_space<vmem>>[vector<16xi32>, vector<16xi32>], vector<16xf32>,
        %parallel_loop3A_437 = arith.index_cast %parallel_loop3A_398 : i32 to index
        %parallel_loop3A_438 = arith.constant 16 : index
        %parallel_loop3A_439 = tpu.vector_load %arg8[%parallel_loop3A_437, %parallel_loop3A_438] {strides = array<i32>} : memref<256x64xf32, #tpu.memory_space<vmem>>, vector<16xf32>,
        %parallel_loop3A_440 = arith.addf %parallel_loop3A_439, %parallel_loop3A_432 : vector<16xf32>
        tpu.vector_store_idx %arg12[%add3A_261, %parallel_loop3A_399], %parallel_loop3A_440 : memref<64x257xf32, #tpu.memory_space<vmem>>[vector<16xi32>, vector<16xi32>], vector<16xf32>,
        %parallel_loop3A_441 = arith.mulf %parallel_loop3A_401, %pack3A_30 : vector<32xbf16>
        %parallel_loop3A_442 = arith.mulf %parallel_loop3A_403, %pack3A_60 : vector<32xbf16>
        %parallel_loop3A_443 = arith.addf %parallel_loop3A_441, %parallel_loop3A_442 : vector<32xbf16>
        %parallel_loop3A_444 = arith.mulf %parallel_loop3A_405, %pack3A_90 : vector<32xbf16>
        %parallel_loop3A_445 = arith.addf %parallel_loop3A_443, %parallel_loop3A_444 : vector<32xbf16>
        %parallel_loop3A_446 = arith.mulf %parallel_loop3A_407, %pack3A_120 : vector<32xbf16>
        %parallel_loop3A_447 = arith.addf %parallel_loop3A_445, %parallel_loop3A_446 : vector<32xbf16>
        %parallel_loop3A_448 = arith.mulf %parallel_loop3A_409, %pack3A_150 : vector<32xbf16>
        %parallel_loop3A_449 = arith.addf %parallel_loop3A_447, %parallel_loop3A_448 : vector<32xbf16>
        %parallel_loop3A_450 = arith.mulf %parallel_loop3A_411, %pack3A_180 : vector<32xbf16>
        %parallel_loop3A_451 = arith.addf %parallel_loop3A_449, %parallel_loop3A_450 : vector<32xbf16>
        %parallel_loop3A_452 = arith.mulf %parallel_loop3A_413, %pack3A_210 : vector<32xbf16>
        %parallel_loop3A_453 = arith.addf %parallel_loop3A_451, %parallel_loop3A_452 : vector<32xbf16>
        %parallel_loop3A_454 = arith.mulf %parallel_loop3A_415, %pack3A_240 : vector<32xbf16>
        %parallel_loop3A_455 = arith.addf %parallel_loop3A_453, %parallel_loop3A_454 : vector<32xbf16>
        %parallel_loop3A_456 = tpu.unpack_subelements %parallel_loop3A_455, 0 {pack_format = #tpu.pack_format<interleaved>} : vector<32xbf16> -> vector<16xf32>
        %parallel_loop3A_457 = tpu.unpack_subelements %parallel_loop3A_455, 1 {pack_format = #tpu.pack_format<interleaved>} : vector<32xbf16> -> vector<16xf32>
        %parallel_loop3A_458 = arith.index_cast %parallel_loop3A_398 : i32 to index
        %parallel_loop3A_459 = arith.constant 32 : index
        %parallel_loop3A_460 = tpu.vector_load %arg8[%parallel_loop3A_458, %parallel_loop3A_459] {strides = array<i32>} : memref<256x64xf32, #tpu.memory_space<vmem>>, vector<16xf32>,
        %parallel_loop3A_461 = arith.addf %parallel_loop3A_460, %parallel_loop3A_456 : vector<16xf32>
        tpu.vector_store_idx %arg12[%add3A_264, %parallel_loop3A_399], %parallel_loop3A_461 : memref<64x257xf32, #tpu.memory_space<vmem>>[vector<16xi32>, vector<16xi32>], vector<16xf32>,
        %parallel_loop3A_462 = arith.index_cast %parallel_loop3A_398 : i32 to index
        %parallel_loop3A_463 = arith.constant 48 : index
        %parallel_loop3A_464 = tpu.vector_load %arg8[%parallel_loop3A_462, %parallel_loop3A_463] {strides = array<i32>} : memref<256x64xf32, #tpu.memory_space<vmem>>, vector<16xf32>,
        %parallel_loop3A_465 = arith.addf %parallel_loop3A_464, %parallel_loop3A_457 : vector<16xf32>
        tpu.vector_store_idx %arg12[%add3A_267, %parallel_loop3A_399], %parallel_loop3A_465 : memref<64x257xf32, #tpu.memory_space<vmem>>[vector<16xi32>, vector<16xi32>], vector<16xf32>,
      } {sc.loop_unroll_factor = 4 : i64, sc.parallel_access}
      %add3A_344 = arith.constant 0 : i32
      %add3A_345 = arith.addi %mul3A_2, %add3A_344 : i32
      %dma_start3A_346 = arith.constant 0 : i32
      %dma_start3A_347 = arith.constant 0 : i32
      %dma_start3A_348 = tpu.memref_slice %arg12[%dma_start3A_346, %dma_start3A_347] : memref<64x257xf32, #tpu.memory_space<vmem>> -> memref<64x256xf32, #tpu.memory_space<vmem>>
      %dma_start3A_349 = arith.constant 0 : i32
      %dma_start3A_350 = tpu.memref_slice %arg6[%scan3A_315, %dma_start3A_349, %add3A_345] : memref<50x64x16384xf32, #tpu.memory_space<hbm>> -> memref<1x64x256xf32, #tpu.memory_space<hbm>>
      %dma_start3A_351 = tpu.memref_squeeze %dma_start3A_350 : memref<1x64x256xf32, #tpu.memory_space<hbm>> -> memref<64x256xf32, #tpu.memory_space<hbm>>
      %dma_start3A_352 = arith.constant 0 : i32
      %dma_start3A_353 = tpu.memref_slice %arg6[%scan3A_315, %dma_start3A_352, %add3A_345] : memref<50x64x16384xf32, #tpu.memory_space<hbm>> -> memref<1x64x256xf32, #tpu.memory_space<hbm>>
      %dma_start3A_354 = tpu.memref_squeeze %dma_start3A_353 : memref<1x64x256xf32, #tpu.memory_space<hbm>> -> memref<64x256xf32, #tpu.memory_space<hbm>>
      %dma_start3A_355 = arith.constant 0 : i32
      %dma_start3A_356 = arith.constant 0 : i32
      %dma_start3A_357 = tpu.memref_slice %arg12[%dma_start3A_355, %dma_start3A_356] : memref<64x257xf32, #tpu.memory_space<vmem>> -> memref<64x256xf32, #tpu.memory_space<vmem>>
      tpu.enqueue_dma source(%dma_start3A_357 : memref<64x256xf32, #tpu.memory_space<vmem>>) target(%dma_start3A_354 : memref<64x256xf32, #tpu.memory_space<hbm>>) target_semaphore(%arg19 : memref<!tpu.dma_semaphore, #tpu.memory_space<semaphore_mem>>)
      %add3A_358 = arith.constant 1 : i32
      %add3A_359 = arith.addi %scan3A_315, %add3A_358 : i32
      %lt3A = arith.constant 50 : i32
      %lt3A_360 = arith.cmpi slt, %add3A_359, %lt3A : i32
      %convert_element_type3A_361 = arith.extui %lt3A_360 : i1 to i32
      %cond3A_362 = arith.constant 0 : i32
      %cond3A_363 = arith.cmpi ne, %convert_element_type3A_361, %cond3A_362 : i32
      scf.if %cond3A_363 {
        %add3A_398 = arith.constant 1 : i32
        %add3A_399 = arith.addi %scan3A_315, %add3A_398 : i32
        %dma_start3A_400 = arith.constant 0 : i32
        %dma_start3A_401 = tpu.memref_slice %arg7[%add3A_399, %dma_start3A_400] : memref<50x512xi32, #tpu.memory_space<vmem>> -> memref<1x256xi32, #tpu.memory_space<vmem>>
        %dma_start3A_402 = tpu.memref_squeeze %dma_start3A_401 : memref<1x256xi32, #tpu.memory_space<vmem>> -> memref<256xi32, #tpu.memory_space<vmem>>
        %dma_start3A_403 = arith.constant 0 : i32
        %dma_start3A_404 = arith.constant 0 : i32
        %dma_start3A_405 = tpu.memref_slice %arg3[%dma_start3A_403, %dma_start3A_404] : memref<1000000x64xf32, #tpu.memory_space<hbm>> -> memref<1000000x64xf32, #tpu.memory_space<hbm>>
        tpu.enqueue_indirect_dma source(%dma_start3A_405 : memref<1000000x64xf32, #tpu.memory_space<hbm>>) target(%arg8 : memref<256x64xf32, #tpu.memory_space<vmem>>) offsets(%dma_start3A_402 : memref<256xi32, #tpu.memory_space<vmem>>) semaphore(%arg15 : memref<!tpu.dma_semaphore, #tpu.memory_space<semaphore_mem>>)
        %dma_start3A_406 = arith.constant 0 : i32
        %dma_start3A_407 = tpu.memref_slice %arg7[%add3A_399, %dma_start3A_406] : memref<50x512xi32, #tpu.memory_space<vmem>> -> memref<1x256xi32, #tpu.memory_space<vmem>>
        %dma_start3A_408 = tpu.memref_squeeze %dma_start3A_407 : memref<1x256xi32, #tpu.memory_space<vmem>> -> memref<256xi32, #tpu.memory_space<vmem>>
        %dma_start3A_409 = arith.constant 0 : i32
        %dma_start3A_410 = arith.constant 0 : i32
        %dma_start3A_411 = tpu.memref_slice %arg4[%dma_start3A_409, %dma_start3A_410] : memref<1000000x8xi32, #tpu.memory_space<hbm>> -> memref<1000000x8xi32, #tpu.memory_space<hbm>>
        tpu.enqueue_indirect_dma source(%dma_start3A_411 : memref<1000000x8xi32, #tpu.memory_space<hbm>>) target(%arg10 : memref<256x8xi32, #tpu.memory_space<vmem>>) offsets(%dma_start3A_408 : memref<256xi32, #tpu.memory_space<vmem>>) semaphore(%arg17 : memref<!tpu.dma_semaphore, #tpu.memory_space<semaphore_mem>>)
      } else {
      }
      %dma_wait3A_364 = arith.constant 256 : i32
      %dma_wait3A_365 = tpu.memref_slice %arg7[%scan3A_315, %dma_wait3A_364] : memref<50x512xi32, #tpu.memory_space<vmem>> -> memref<1x256xi32, #tpu.memory_space<vmem>>
      %dma_wait3A_366 = tpu.memref_squeeze %dma_wait3A_365 : memref<1x256xi32, #tpu.memory_space<vmem>> -> memref<256xi32, #tpu.memory_space<vmem>>
      %dma_wait3A_367 = arith.constant 0 : i32
      %dma_wait3A_368 = arith.constant 0 : i32
      %dma_wait3A_369 = tpu.memref_slice %arg3[%dma_wait3A_367, %dma_wait3A_368] : memref<1000000x64xf32, #tpu.memory_space<hbm>> -> memref<1000000x64xf32, #tpu.memory_space<hbm>>
      tpu.wait_indirect_dma semaphore(%arg16 : memref<!tpu.dma_semaphore, #tpu.memory_space<semaphore_mem>>) src(%dma_wait3A_369 : memref<1000000x64xf32, #tpu.memory_space<hbm>>) dst(%arg9 : memref<256x64xf32, #tpu.memory_space<vmem>>)
      %dma_wait3A_370 = arith.constant 256 : i32
      %dma_wait3A_371 = tpu.memref_slice %arg7[%scan3A_315, %dma_wait3A_370] : memref<50x512xi32, #tpu.memory_space<vmem>> -> memref<1x256xi32, #tpu.memory_space<vmem>>
      %dma_wait3A_372 = tpu.memref_squeeze %dma_wait3A_371 : memref<1x256xi32, #tpu.memory_space<vmem>> -> memref<256xi32, #tpu.memory_space<vmem>>
      %dma_wait3A_373 = arith.constant 0 : i32
      %dma_wait3A_374 = arith.constant 0 : i32
      %dma_wait3A_375 = tpu.memref_slice %arg4[%dma_wait3A_373, %dma_wait3A_374] : memref<1000000x8xi32, #tpu.memory_space<hbm>> -> memref<1000000x8xi32, #tpu.memory_space<hbm>>
      tpu.wait_indirect_dma semaphore(%arg18 : memref<!tpu.dma_semaphore, #tpu.memory_space<semaphore_mem>>) src(%dma_wait3A_375 : memref<1000000x8xi32, #tpu.memory_space<hbm>>) dst(%arg11 : memref<256x8xi32, #tpu.memory_space<vmem>>)
      %gt3A_376 = arith.constant 0 : i32
      %gt3A_377 = arith.cmpi sgt, %scan3A_315, %gt3A_376 : i32
      %convert_element_type3A_378 = arith.extui %gt3A_377 : i1 to i32
      %cond3A_379 = arith.constant 0 : i32
      %cond3A_380 = arith.cmpi ne, %convert_element_type3A_378, %cond3A_379 : i32
      scf.if %cond3A_380 {
        %sub3A = arith.constant 1 : i32
        %sub3A_398 = arith.subi %scan3A_315, %sub3A : i32
        %add3A_399 = arith.constant 256 : i32
        %add3A_400 = arith.addi %mul3A_2, %add3A_399 : i32
        %dma_wait3A_401 = arith.constant 0 : i32
        %dma_wait3A_402 = arith.constant 0 : i32
        %dma_wait3A_403 = tpu.memref_slice %arg13[%dma_wait3A_401, %dma_wait3A_402] : memref<64x257xf32, #tpu.memory_space<vmem>> -> memref<64x256xf32, #tpu.memory_space<vmem>>
        %dma_wait3A_404 = arith.constant 0 : i32
        %dma_wait3A_405 = tpu.memref_slice %arg6[%sub3A_398, %dma_wait3A_404, %add3A_400] : memref<50x64x16384xf32, #tpu.memory_space<hbm>> -> memref<1x64x256xf32, #tpu.memory_space<hbm>>
        %dma_wait3A_406 = tpu.memref_squeeze %dma_wait3A_405 : memref<1x64x256xf32, #tpu.memory_space<hbm>> -> memref<64x256xf32, #tpu.memory_space<hbm>>
        %dma_wait3A_407 = arith.constant 0 : i32
        %dma_wait3A_408 = tpu.memref_slice %arg6[%sub3A_398, %dma_wait3A_407, %add3A_400] : memref<50x64x16384xf32, #tpu.memory_space<hbm>> -> memref<1x64x256xf32, #tpu.memory_space<hbm>>
        %dma_wait3A_409 = tpu.memref_squeeze %dma_wait3A_408 : memref<1x64x256xf32, #tpu.memory_space<hbm>> -> memref<64x256xf32, #tpu.memory_space<hbm>>
        %dma_wait3A_410 = arith.constant 0 : i32
        %dma_wait3A_411 = arith.constant 0 : i32
        %dma_wait3A_412 = tpu.memref_slice %arg13[%dma_wait3A_410, %dma_wait3A_411] : memref<64x257xf32, #tpu.memory_space<vmem>> -> memref<64x256xf32, #tpu.memory_space<vmem>>
        tpu.wait_dma2 semaphore(%arg20 : memref<!tpu.dma_semaphore, #tpu.memory_space<semaphore_mem>>) src(%dma_wait3A_412 : memref<64x256xf32, #tpu.memory_space<vmem>>) dst(%dma_wait3A_409 : memref<64x256xf32, #tpu.memory_space<hbm>>)
      } else {
      }
      %parallel_loop3A_381 = arith.constant 0 : i32
      %parallel_loop3A_382 = arith.constant 256 : i32
      %parallel_loop3A_383 = arith.constant 1 : i32
      scf.for %parallel_loop3A_398 = %parallel_loop3A_381 to %parallel_loop3A_382 step %parallel_loop3A_383  : i32 {
        %parallel_loop3A_399 = vector.broadcast %parallel_loop3A_398 : i32 to vector<16xi32>
        %parallel_loop3A_400 = tpu.vector_load_idx %arg11[%parallel_loop3A_399, %broadcast_in_dim3A_241] : memref<256x8xi32, #tpu.memory_space<vmem>>[vector<16xi32>, vector<16xi32>], vector<16xi32>,
        %parallel_loop3A_401 = vector.bitcast %parallel_loop3A_400 : vector<16xi32> to vector<32xbf16>
        %parallel_loop3A_402 = tpu.vector_load_idx %arg11[%parallel_loop3A_399, %broadcast_in_dim3A_243] : memref<256x8xi32, #tpu.memory_space<vmem>>[vector<16xi32>, vector<16xi32>], vector<16xi32>,
        %parallel_loop3A_403 = vector.bitcast %parallel_loop3A_402 : vector<16xi32> to vector<32xbf16>
        %parallel_loop3A_404 = tpu.vector_load_idx %arg11[%parallel_loop3A_399, %broadcast_in_dim3A_245] : memref<256x8xi32, #tpu.memory_space<vmem>>[vector<16xi32>, vector<16xi32>], vector<16xi32>,
        %parallel_loop3A_405 = vector.bitcast %parallel_loop3A_404 : vector<16xi32> to vector<32xbf16>
        %parallel_loop3A_406 = tpu.vector_load_idx %arg11[%parallel_loop3A_399, %broadcast_in_dim3A_247] : memref<256x8xi32, #tpu.memory_space<vmem>>[vector<16xi32>, vector<16xi32>], vector<16xi32>,
        %parallel_loop3A_407 = vector.bitcast %parallel_loop3A_406 : vector<16xi32> to vector<32xbf16>
        %parallel_loop3A_408 = tpu.vector_load_idx %arg11[%parallel_loop3A_399, %broadcast_in_dim3A_249] : memref<256x8xi32, #tpu.memory_space<vmem>>[vector<16xi32>, vector<16xi32>], vector<16xi32>,
        %parallel_loop3A_409 = vector.bitcast %parallel_loop3A_408 : vector<16xi32> to vector<32xbf16>
        %parallel_loop3A_410 = tpu.vector_load_idx %arg11[%parallel_loop3A_399, %broadcast_in_dim3A_251] : memref<256x8xi32, #tpu.memory_space<vmem>>[vector<16xi32>, vector<16xi32>], vector<16xi32>,
        %parallel_loop3A_411 = vector.bitcast %parallel_loop3A_410 : vector<16xi32> to vector<32xbf16>
        %parallel_loop3A_412 = tpu.vector_load_idx %arg11[%parallel_loop3A_399, %broadcast_in_dim3A_253] : memref<256x8xi32, #tpu.memory_space<vmem>>[vector<16xi32>, vector<16xi32>], vector<16xi32>,
        %parallel_loop3A_413 = vector.bitcast %parallel_loop3A_412 : vector<16xi32> to vector<32xbf16>
        %parallel_loop3A_414 = tpu.vector_load_idx %arg11[%parallel_loop3A_399, %broadcast_in_dim3A_255] : memref<256x8xi32, #tpu.memory_space<vmem>>[vector<16xi32>, vector<16xi32>], vector<16xi32>,
        %parallel_loop3A_415 = vector.bitcast %parallel_loop3A_414 : vector<16xi32> to vector<32xbf16>
        %parallel_loop3A_416 = arith.mulf %parallel_loop3A_401, %pack3A : vector<32xbf16>
        %parallel_loop3A_417 = arith.mulf %parallel_loop3A_403, %pack3A_45 : vector<32xbf16>
        %parallel_loop3A_418 = arith.addf %parallel_loop3A_416, %parallel_loop3A_417 : vector<32xbf16>
        %parallel_loop3A_419 = arith.mulf %parallel_loop3A_405, %pack3A_75 : vector<32xbf16>
        %parallel_loop3A_420 = arith.addf %parallel_loop3A_418, %parallel_loop3A_419 : vector<32xbf16>
        %parallel_loop3A_421 = arith.mulf %parallel_loop3A_407, %pack3A_105 : vector<32xbf16>
        %parallel_loop3A_422 = arith.addf %parallel_loop3A_420, %parallel_loop3A_421 : vector<32xbf16>
        %parallel_loop3A_423 = arith.mulf %parallel_loop3A_409, %pack3A_135 : vector<32xbf16>
        %parallel_loop3A_424 = arith.addf %parallel_loop3A_422, %parallel_loop3A_423 : vector<32xbf16>
        %parallel_loop3A_425 = arith.mulf %parallel_loop3A_411, %pack3A_165 : vector<32xbf16>
        %parallel_loop3A_426 = arith.addf %parallel_loop3A_424, %parallel_loop3A_425 : vector<32xbf16>
        %parallel_loop3A_427 = arith.mulf %parallel_loop3A_413, %pack3A_195 : vector<32xbf16>
        %parallel_loop3A_428 = arith.addf %parallel_loop3A_426, %parallel_loop3A_427 : vector<32xbf16>
        %parallel_loop3A_429 = arith.mulf %parallel_loop3A_415, %pack3A_225 : vector<32xbf16>
        %parallel_loop3A_430 = arith.addf %parallel_loop3A_428, %parallel_loop3A_429 : vector<32xbf16>
        %parallel_loop3A_431 = tpu.unpack_subelements %parallel_loop3A_430, 0 {pack_format = #tpu.pack_format<interleaved>} : vector<32xbf16> -> vector<16xf32>
        %parallel_loop3A_432 = tpu.unpack_subelements %parallel_loop3A_430, 1 {pack_format = #tpu.pack_format<interleaved>} : vector<32xbf16> -> vector<16xf32>
        %parallel_loop3A_433 = arith.index_cast %parallel_loop3A_398 : i32 to index
        %parallel_loop3A_434 = arith.constant 0 : index
        %parallel_loop3A_435 = tpu.vector_load %arg9[%parallel_loop3A_433, %parallel_loop3A_434] {strides = array<i32>} : memref<256x64xf32, #tpu.memory_space<vmem>>, vector<16xf32>,
        %parallel_loop3A_436 = arith.addf %parallel_loop3A_435, %parallel_loop3A_431 : vector<16xf32>
        tpu.vector_store_idx %arg13[%add3A_258, %parallel_loop3A_399], %parallel_loop3A_436 : memref<64x257xf32, #tpu.memory_space<vmem>>[vector<16xi32>, vector<16xi32>], vector<16xf32>,
        %parallel_loop3A_437 = arith.index_cast %parallel_loop3A_398 : i32 to index
        %parallel_loop3A_438 = arith.constant 16 : index
        %parallel_loop3A_439 = tpu.vector_load %arg9[%parallel_loop3A_437, %parallel_loop3A_438] {strides = array<i32>} : memref<256x64xf32, #tpu.memory_space<vmem>>, vector<16xf32>,
        %parallel_loop3A_440 = arith.addf %parallel_loop3A_439, %parallel_loop3A_432 : vector<16xf32>
        tpu.vector_store_idx %arg13[%add3A_261, %parallel_loop3A_399], %parallel_loop3A_440 : memref<64x257xf32, #tpu.memory_space<vmem>>[vector<16xi32>, vector<16xi32>], vector<16xf32>,
        %parallel_loop3A_441 = arith.mulf %parallel_loop3A_401, %pack3A_30 : vector<32xbf16>
        %parallel_loop3A_442 = arith.mulf %parallel_loop3A_403, %pack3A_60 : vector<32xbf16>
        %parallel_loop3A_443 = arith.addf %parallel_loop3A_441, %parallel_loop3A_442 : vector<32xbf16>
        %parallel_loop3A_444 = arith.mulf %parallel_loop3A_405, %pack3A_90 : vector<32xbf16>
        %parallel_loop3A_445 = arith.addf %parallel_loop3A_443, %parallel_loop3A_444 : vector<32xbf16>
        %parallel_loop3A_446 = arith.mulf %parallel_loop3A_407, %pack3A_120 : vector<32xbf16>
        %parallel_loop3A_447 = arith.addf %parallel_loop3A_445, %parallel_loop3A_446 : vector<32xbf16>
        %parallel_loop3A_448 = arith.mulf %parallel_loop3A_409, %pack3A_150 : vector<32xbf16>
        %parallel_loop3A_449 = arith.addf %parallel_loop3A_447, %parallel_loop3A_448 : vector<32xbf16>
        %parallel_loop3A_450 = arith.mulf %parallel_loop3A_411, %pack3A_180 : vector<32xbf16>
        %parallel_loop3A_451 = arith.addf %parallel_loop3A_449, %parallel_loop3A_450 : vector<32xbf16>
        %parallel_loop3A_452 = arith.mulf %parallel_loop3A_413, %pack3A_210 : vector<32xbf16>
        %parallel_loop3A_453 = arith.addf %parallel_loop3A_451, %parallel_loop3A_452 : vector<32xbf16>
        %parallel_loop3A_454 = arith.mulf %parallel_loop3A_415, %pack3A_240 : vector<32xbf16>
        %parallel_loop3A_455 = arith.addf %parallel_loop3A_453, %parallel_loop3A_454 : vector<32xbf16>
        %parallel_loop3A_456 = tpu.unpack_subelements %parallel_loop3A_455, 0 {pack_format = #tpu.pack_format<interleaved>} : vector<32xbf16> -> vector<16xf32>
        %parallel_loop3A_457 = tpu.unpack_subelements %parallel_loop3A_455, 1 {pack_format = #tpu.pack_format<interleaved>} : vector<32xbf16> -> vector<16xf32>
        %parallel_loop3A_458 = arith.index_cast %parallel_loop3A_398 : i32 to index
        %parallel_loop3A_459 = arith.constant 32 : index
        %parallel_loop3A_460 = tpu.vector_load %arg9[%parallel_loop3A_458, %parallel_loop3A_459] {strides = array<i32>} : memref<256x64xf32, #tpu.memory_space<vmem>>, vector<16xf32>,
        %parallel_loop3A_461 = arith.addf %parallel_loop3A_460, %parallel_loop3A_456 : vector<16xf32>
        tpu.vector_store_idx %arg13[%add3A_264, %parallel_loop3A_399], %parallel_loop3A_461 : memref<64x257xf32, #tpu.memory_space<vmem>>[vector<16xi32>, vector<16xi32>], vector<16xf32>,
        %parallel_loop3A_462 = arith.index_cast %parallel_loop3A_398 : i32 to index
        %parallel_loop3A_463 = arith.constant 48 : index
        %parallel_loop3A_464 = tpu.vector_load %arg9[%parallel_loop3A_462, %parallel_loop3A_463] {strides = array<i32>} : memref<256x64xf32, #tpu.memory_space<vmem>>, vector<16xf32>,
        %parallel_loop3A_465 = arith.addf %parallel_loop3A_464, %parallel_loop3A_457 : vector<16xf32>
        tpu.vector_store_idx %arg13[%add3A_267, %parallel_loop3A_399], %parallel_loop3A_465 : memref<64x257xf32, #tpu.memory_space<vmem>>[vector<16xi32>, vector<16xi32>], vector<16xf32>,
      } {sc.loop_unroll_factor = 4 : i64, sc.parallel_access}
      %add3A_384 = arith.constant 256 : i32
      %add3A_385 = arith.addi %mul3A_2, %add3A_384 : i32
      %dma_start3A_386 = arith.constant 0 : i32
      %dma_start3A_387 = arith.constant 0 : i32
      %dma_start3A_388 = tpu.memref_slice %arg13[%dma_start3A_386, %dma_start3A_387] : memref<64x257xf32, #tpu.memory_space<vmem>> -> memref<64x256xf32, #tpu.memory_space<vmem>>
      %dma_start3A_389 = arith.constant 0 : i32
      %dma_start3A_390 = tpu.memref_slice %arg6[%scan3A_315, %dma_start3A_389, %add3A_385] : memref<50x64x16384xf32, #tpu.memory_space<hbm>> -> memref<1x64x256xf32, #tpu.memory_space<hbm>>
      %dma_start3A_391 = tpu.memref_squeeze %dma_start3A_390 : memref<1x64x256xf32, #tpu.memory_space<hbm>> -> memref<64x256xf32, #tpu.memory_space<hbm>>
      %dma_start3A_392 = arith.constant 0 : i32
      %dma_start3A_393 = tpu.memref_slice %arg6[%scan3A_315, %dma_start3A_392, %add3A_385] : memref<50x64x16384xf32, #tpu.memory_space<hbm>> -> memref<1x64x256xf32, #tpu.memory_space<hbm>>
      %dma_start3A_394 = tpu.memref_squeeze %dma_start3A_393 : memref<1x64x256xf32, #tpu.memory_space<hbm>> -> memref<64x256xf32, #tpu.memory_space<hbm>>
      %dma_start3A_395 = arith.constant 0 : i32
      %dma_start3A_396 = arith.constant 0 : i32
      %dma_start3A_397 = tpu.memref_slice %arg13[%dma_start3A_395, %dma_start3A_396] : memref<64x257xf32, #tpu.memory_space<vmem>> -> memref<64x256xf32, #tpu.memory_space<vmem>>
      tpu.enqueue_dma source(%dma_start3A_397 : memref<64x256xf32, #tpu.memory_space<vmem>>) target(%dma_start3A_394 : memref<64x256xf32, #tpu.memory_space<hbm>>) target_semaphore(%arg20 : memref<!tpu.dma_semaphore, #tpu.memory_space<semaphore_mem>>)
    }
    %scan3A_285 = arith.constant 50 : i32
    %add3A_286 = arith.constant 0 : i32
    %add3A_287 = arith.addi %mul3A_2, %add3A_286 : i32
    %dma_wait3A = arith.constant 49 : i32
    %dma_wait3A_288 = arith.constant 0 : i32
    %dma_wait3A_289 = arith.constant 0 : i32
    %dma_wait3A_290 = tpu.memref_slice %arg12[%dma_wait3A_288, %dma_wait3A_289] : memref<64x257xf32, #tpu.memory_space<vmem>> -> memref<64x256xf32, #tpu.memory_space<vmem>>
    %dma_wait3A_291 = arith.constant 0 : i32
    %dma_wait3A_292 = tpu.memref_slice %arg6[%dma_wait3A, %dma_wait3A_291, %add3A_287] : memref<50x64x16384xf32, #tpu.memory_space<hbm>> -> memref<1x64x256xf32, #tpu.memory_space<hbm>>
    %dma_wait3A_293 = tpu.memref_squeeze %dma_wait3A_292 : memref<1x64x256xf32, #tpu.memory_space<hbm>> -> memref<64x256xf32, #tpu.memory_space<hbm>>
    %dma_wait3A_294 = arith.constant 0 : i32
    %dma_wait3A_295 = tpu.memref_slice %arg6[%dma_wait3A, %dma_wait3A_294, %add3A_287] : memref<50x64x16384xf32, #tpu.memory_space<hbm>> -> memref<1x64x256xf32, #tpu.memory_space<hbm>>
    %dma_wait3A_296 = tpu.memref_squeeze %dma_wait3A_295 : memref<1x64x256xf32, #tpu.memory_space<hbm>> -> memref<64x256xf32, #tpu.memory_space<hbm>>
    %dma_wait3A_297 = arith.constant 0 : i32
    %dma_wait3A_298 = arith.constant 0 : i32
    %dma_wait3A_299 = tpu.memref_slice %arg12[%dma_wait3A_297, %dma_wait3A_298] : memref<64x257xf32, #tpu.memory_space<vmem>> -> memref<64x256xf32, #tpu.memory_space<vmem>>
    tpu.wait_dma2 semaphore(%arg19 : memref<!tpu.dma_semaphore, #tpu.memory_space<semaphore_mem>>) src(%dma_wait3A_299 : memref<64x256xf32, #tpu.memory_space<vmem>>) dst(%dma_wait3A_296 : memref<64x256xf32, #tpu.memory_space<hbm>>)
    %add3A_300 = arith.constant 256 : i32
    %add3A_301 = arith.addi %mul3A_2, %add3A_300 : i32
    %dma_wait3A_302 = arith.constant 49 : i32
    %dma_wait3A_303 = arith.constant 0 : i32
    %dma_wait3A_304 = arith.constant 0 : i32
    %dma_wait3A_305 = tpu.memref_slice %arg13[%dma_wait3A_303, %dma_wait3A_304] : memref<64x257xf32, #tpu.memory_space<vmem>> -> memref<64x256xf32, #tpu.memory_space<vmem>>
    %dma_wait3A_306 = arith.constant 0 : i32
    %dma_wait3A_307 = tpu.memref_slice %arg6[%dma_wait3A_302, %dma_wait3A_306, %add3A_301] : memref<50x64x16384xf32, #tpu.memory_space<hbm>> -> memref<1x64x256xf32, #tpu.memory_space<hbm>>
    %dma_wait3A_308 = tpu.memref_squeeze %dma_wait3A_307 : memref<1x64x256xf32, #tpu.memory_space<hbm>> -> memref<64x256xf32, #tpu.memory_space<hbm>>
    %dma_wait3A_309 = arith.constant 0 : i32
    %dma_wait3A_310 = tpu.memref_slice %arg6[%dma_wait3A_302, %dma_wait3A_309, %add3A_301] : memref<50x64x16384xf32, #tpu.memory_space<hbm>> -> memref<1x64x256xf32, #tpu.memory_space<hbm>>
    %dma_wait3A_311 = tpu.memref_squeeze %dma_wait3A_310 : memref<1x64x256xf32, #tpu.memory_space<hbm>> -> memref<64x256xf32, #tpu.memory_space<hbm>>
    %dma_wait3A_312 = arith.constant 0 : i32
    %dma_wait3A_313 = arith.constant 0 : i32
    %dma_wait3A_314 = tpu.memref_slice %arg13[%dma_wait3A_312, %dma_wait3A_313] : memref<64x257xf32, #tpu.memory_space<vmem>> -> memref<64x256xf32, #tpu.memory_space<vmem>>
    tpu.wait_dma2 semaphore(%arg20 : memref<!tpu.dma_semaphore, #tpu.memory_space<semaphore_mem>>) src(%dma_wait3A_314 : memref<64x256xf32, #tpu.memory_space<vmem>>) dst(%dma_wait3A_311 : memref<64x256xf32, #tpu.memory_space<hbm>>)
    return
  }
}

</mosaic_0001>

<sc_bundles>
// kernel: kernel.3.cloned.1.call-start
scs
__scs_entry_jumppad:
0x0: {  	(pc) =	sbr.rel $0x88, $3  }
0x1: {  	(tag) =	ssettag $0x0;
	lr =	simm.s32 $0x1  }
0x2: {  	[smem:$0x3F9D] =	sst lr;
	_ =	strace $0xD0000000  }
0x3: {  	_ = 	snop  }
0x4: {  	_ = 	snop  }
0x5: {  	_ = 	snop  }
0x6: {  	_ = 	snop  }
0x7: {  	_ = 	snop  }
__scs_overlays_trampoline_lowered:
0x8: {  	[smem:$0x3FAC] =	sst s0  }
0x9: {  	[smem:$0x3FAD] =	sst s1  }
0xa: {  	[smem:$0x3FAE] =	sst s2  }
0xb: {  	[smem:$0x3FAF] =	sst s3  }
0xc: {  	[smem:$0x3FB0] =	sst s4  }
0xd: {  	[smem:$0x3FB1] =	sst s5  }
0xe: {  	[smem:$0x3FB2] =	sst s6  }
0xf: {  	[smem:$0x3FB3] =	sst s7  }
0x10: {  	[smem:$0x3FB4] =	sst s8  }
0x11: {  	[smem:$0x3FB5] =	sst s9;
	s0 =	simm.s32 @!p0 $0x0  }
0x12: {  	s1 =	sld [smem:$0x3F9B];
	s0 =	simm.s32 @p0 $0x1  }
0x13: {  	[smem:$0x3FB6] =	sst s0;
	s0 =	simm.s32 @!p1 $0x0  }
0x14: {  	s2 =	sld [smem:$0x3F9A];
	s0 =	simm.s32 @p1 $0x1  }
0x15: {  	[smem:$0x3FB7] =	sst s0;
	s0 =	simm.s32 @!p2 $0x0  }
0x16: {  	s3 =	sld [smem:$0x3FDB];
	s0 =	simm.s32 @p2 $0x1  }
0x17: {  	s4 =	simm.s32 $0x1BF5;
	[smem:$0x3FB9] =	sst s0  }
0x18: {  	s0 =	sld [smem:$0x3F9C];
	_ =	swait.ge [sflag:s4], $0x0  }
0x19: {  	s7 =	sld [smem:$0x3F9D]  }
0x1a: {  	s8 =	sadd.s32 $0xFFFFE003, lr  }
0x1b: {  	s9 =	sadd.s32 $0xFFFFFEF7, lr;
	s5 =	simm.s32 $0xFFFFFFFF;
	p2 =	slt.u32 s8, $0xFFFFF086  }
0x1c: {  	p1 =	slt.u32 s9, $0xF7A;
	s5 =	simm.s32 @!p2 $0x0  }
0x1d: {  	s5 =	simm.s32 @p1 $0x1;
	p0 =	seq.s32 s7, s2  }
0x1e: {  	s7 =	smul.u32 @!p0 $0xF7A, s2;
	p2 =	seq.s32 @!p0 s5, $0x0  }
0x1f: {  	s9 =	smul.u32 $0xF7A, s1;
	s8 =	simm.s32 @!p0 $0x1BF5;
	p2 =	por !p2, p0  }
0x20: {  	[sflag:s8] =	ssyncset.s32 @!p0 $0xFFFFF086;
	s6 =	sadd.s32 @!p0 s3, s7;
	s7 =	simm.s32 @!p0 $0x108  }
0x21: {  	s3 =	sadd.s32 s3, s9;
	s6 =	sadd.s32 @!p0 $0x88, s6;
	s7 =	simm.s32 @p2 $0x1082  }
0x22: {  	[simem:s7], [sflag:s8] =	dma.local @!p0 [hbm:s6], $0xF7A  }
0x23: {  	s9 =	sor.u32 $0xD0000000, s2;
	s6 =	simm.s32 $0x108;
	_ =	swait.ge @!p0 [sflag:s8], $0x0  }
0x24: {  	s3 =	sadd.s32 $0x88, s3;
	s6 =	simm.s32 @!p1 $0x1082;
	[sflag:s4] =	ssyncset.s32 $0xFFFFF086  }
0x25: {  	[simem:s6], [sflag:s4] =	dma.local [hbm:s3], $0xF7A  }
0x26: {  	[smem:$0x3F9D] =	sst s1;
	(tag) =	ssettag s2;
	_ =	strace s9  }
0x27: {  	s1 =	sld [smem:$0x3FAD]  }
0x28: {  	s2 =	sld [smem:$0x3FAE]  }
0x29: {  	s4 =	sld [smem:$0x3FB0]  }
0x2a: {  	p0 =	seq.s32 s5, $0x0;
	s5 =	sld [smem:$0x3FB1]  }
0x2b: {  	s6 =	sld [smem:$0x3FB2]  }
0x2c: {  	s7 =	sld [smem:$0x3FB3]  }
0x2d: {  	s3 =	simm.s32 $0x108;
	s8 =	sld [smem:$0x3FB4]  }
0x2e: {  	s3 =	simm.s32 @!p0 $0x1082;
	s9 =	sld [smem:$0x3FB5]  }
0x2f: {  	lr =	sadd.s32 s0, s3;
	s0 =	sld [smem:$0x3FAC]  }
0x30: {  	s3 =	sld [smem:$0x3FAF]  }
0x31: {  	[smem:$0x3FB8] =	sst s10  }
0x32: {  	s10 =	sld [smem:$0x3FB6];
	_ =	sdelay $0x3  }
0x33: {  	p0 =	seq.s32 s10, $0x1;
	s10 =	sld [smem:$0x3FB8];
	_ =	sdelay $0x3  }
0x34: {  	[smem:$0x3FB8] =	sst s10  }
0x35: {  	s10 =	sld [smem:$0x3FB7];
	_ =	sdelay $0x3  }
0x36: {  	p1 =	seq.s32 s10, $0x1;
	s10 =	sld [smem:$0x3FB8];
	_ =	sdelay $0x3  }
0x37: {  	[smem:$0x3FB8] =	sst s10  }
0x38: {  	s10 =	sld [smem:$0x3FB9]  }
0x39: {  	_ = 	snop;
	(pc) =	sbr.ind lr, $3  }
0x3a: {  	_ = 	snop  }
0x3b: {  	_ = 	snop  }
0x3c: {  	p2 =	seq.s32 s10, $0x1;
	s10 =	sld [smem:$0x3FB8]  }
0x3d: {  	_ =	shalt  }
0x3e: {  	_ =	shalt  }
0x3f: {  	_ =	shalt  }
0x40: {  	_ =	shalt  }
0x41: {  	_ =	shalt  }
0x42: {  	_ =	shalt  }
0x43: {  	_ =	shalt  }
0x44: {  	_ =	shalt  }
0x45: {  	_ =	shalt  }
0x46: {  	_ =	shalt  }
0x47: {  	_ =	shalt  }
0x48: {  	_ =	shalt  }
0x49: {  	_ =	shalt  }
0x4a: {  	_ =	shalt  }
0x4b: {  	_ =	shalt  }
0x4c: {  	_ =	shalt  }
0x4d: {  	_ =	shalt  }
0x4e: {  	_ =	shalt  }
0x4f: {  	_ =	shalt  }
0x50: {  	_ =	shalt  }
0x51: {  	_ =	shalt  }
0x52: {  	_ =	shalt  }
0x53: {  	_ =	shalt  }
0x54: {  	_ =	shalt  }
0x55: {  	_ =	shalt  }
0x56: {  	_ =	shalt  }
0x57: {  	_ =	shalt  }
0x58: {  	_ =	shalt  }
0x59: {  	_ =	shalt  }
0x5a: {  	_ =	shalt  }
0x5b: {  	_ =	shalt  }
0x5c: {  	_ =	shalt  }
0x5d: {  	_ =	shalt  }
0x5e: {  	_ =	shalt  }
0x5f: {  	_ =	shalt  }
0x60: {  	_ =	shalt  }
0x61: {  	_ =	shalt  }
0x62: {  	_ =	shalt  }
0x63: {  	_ =	shalt  }
0x64: {  	_ =	shalt  }
0x65: {  	_ =	shalt  }
0x66: {  	_ =	shalt  }
0x67: {  	_ =	shalt  }
0x68: {  	_ =	shalt  }
0x69: {  	_ =	shalt  }
0x6a: {  	_ =	shalt  }
0x6b: {  	_ =	shalt  }
0x6c: {  	_ =	shalt  }
0x6d: {  	_ =	shalt  }
0x6e: {  	_ =	shalt  }
0x6f: {  	_ =	shalt  }
0x70: {  	_ =	shalt  }
0x71: {  	_ =	shalt  }
0x72: {  	_ =	shalt  }
0x73: {  	_ =	shalt  }
0x74: {  	_ =	shalt  }
0x75: {  	_ =	shalt  }
0x76: {  	_ =	shalt  }
0x77: {  	_ =	shalt  }
0x78: {  	_ =	shalt  }
0x79: {  	_ =	shalt  }
0x7a: {  	_ =	shalt  }
0x7b: {  	_ =	shalt  }
0x7c: {  	_ =	shalt  }
0x7d: {  	_ =	shalt  }
0x7e: {  	_ =	shalt  }
0x7f: {  	_ =	shalt  }
0x80: {  	_ =	shalt  }
0x81: {  	_ =	shalt  }
0x82: {  	_ =	shalt  }
0x83: {  	_ =	shalt  }
0x84: {  	_ =	shalt  }
0x85: {  	_ =	shalt  }
0x86: {  	_ =	shalt  }
0x87: {  	_ =	shalt  }
.Lfunc_end0:
.L_simem_size_0:
called_computation_lowered:
.L_overlay_start_0:
0x88: {  	s2 =	sld [smem:$0x3FD9]  }
0x89: {  	s3 =	sld [smem:$0x3FFE];
	_ =	sdelay $0x1  }
0x8a: {  	s1 =	srdreg.scid  }
0x8b: {  	s0 =	sand.u32 $0x1, s1  }
0x8c: {  	s17 =	sshll.u32 s0, $0xA;
	s2 =	sadd.s32 s3, s2  }
0x8d: {  	s2 =	sadd.s32 s2, s17  }
0x8e: {  	[smem:$0x3FC4] =	sst s2  }
0x8f: {  	_ = 	snop  }
0x90: {  	s2 =	sld [smem:$0x3FD0];
	(tm) =	ssettm $0x1  }
0x91: {  	s18 =	sld [smem:$0x3FFB];
	_ =	sdelay $0x3  }
0x92: {  	_ =	strace s18  }
0x93: {  	s3 =	sld [smem:$0x3FFC];
	_ =	sdelay $0x3  }
0x94: {  	_ =	strace s3  }
0x95: {  	s3 =	sld [smem:$0x3FFD];
	_ =	sdelay $0x3  }
0x96: {  	_ =	strace s3  }
0x97: {  	_ =	strace $0x8FFFFFFF  }
0x98: {  	s19 =	sld [smem:$0x3FDB];
	_ =	sdelay $0x1  }
0x99: {  	s4 =	simm.s32 $_scs_section_size  }
0x9a: {  	s5 =	simm.s32 $_size__tile_overlayer_lowered;
	s6 =	simm.s32 $_tile_overlayer_lowered  }
0x9b: {  	s22 =	simm.s32 $0x1BFF;
	s21 =	sshll.u32 s6, $0x1;
	s3 =	sadd.s32 s4, s19  }
0x9c: {  	s7 =	simm.s32 $0x0;
	s20 =	sshll.u32 s5, $0x1;
	s5 =	sadd.s32 s21, s3  }
0x9d: {  	[timem:s7], [sflag:s22] =	dma.local [hbm:s5], s20  }
0x9e: {  	_ =	swait.ge [sflag:s22], s20  }
0x9f: {  	s4 =	ssub.s32 $0x0, s20;
	[sflag:s22] =	ssyncset.done $0x0  }
0xa0: {  	[sflag:s22] =	ssyncadd.s32 s4;
	_ =	sdelay $0x1  }
0xa1: {  	s23 =	simm.s32 $0x1B8B  }
0xa2: {  	_ =	swait.ge [sflag:s23], $0x1  }
0xa3: {  	[sflag:s23] =	ssyncset.done $0x0  }
0xa4: {  	s25 =	simm.s32 $0x1B8E;
	s24 =	sld [smem:$0x3FFE];
	[sflag:s23] =	ssyncadd.s32 $0xFFFFFFFF  }
0xa5: {  	s26 =	simm.s32 $execute0_lowered;
	[smem:$0x3FD2] =	sst s25  }
0xa6: {  	s5 =	sshll.u32 s26, $0x1;
	_ =	strace $0x80000046;
	[dreg:$0x1] =	wrdreg $0xFFFFFFFF  }
0xa7: {  	s28 =	simm.s32 $_size_execute0_lowered;
	s3 =	sadd.s32 s3, s5;
	[dreg:$0x0] =	wrdreg $0x0  }
0xa8: {  	s5 =	sshll.u32 s28, $0x1;
	[dreg:$0x2] =	wrdreg s3  }
0xa9: {  	[dreg:$0x3] =	wrdreg s5  }
0xaa: {  	[dreg:$0x4] =	wrdreg $0xC0  }
0xab: {  	_ =	task [dreg:s7], $0x5FFFF  }
0xac: {  	[dreg:$0x1] =	wrdreg $0xFFFFFFFF  }
0xad: {  	[dreg:$0x0] =	wrdreg $0x60  }
0xae: {  	[dreg:$0x2] =	wrdreg s24  }
0xaf: {  	[dreg:$0x3] =	wrdreg s2  }
0xb0: {  	[dreg:$0x4] =	wrdreg $0x9  }
0xb1: {  	_ =	task.clear_ibuf [dreg:s7], $0x5FFFF;
	_ =	strace $0x90000046  }
0xb2: {  	s29 =	simm.s32 $0x9;
	_ =	strace $0x80000048  }
0xb3: {  	_ =	swait.ge [sflag:s29], $0x1  }
0xb4: {  	[sflag:s29] =	ssyncadd.s32 $0xFFFFFFFF  }
0xb5: {  	_ =	strace $0x90000048  }
0xb6: {  	_ =	sfence  }
0xb7: {  	s30 =	sld [smem:$0x0];
	_ =	sdelay $0x2  }
0xb8: {  	s31 =	sshll.u32 s1, $0xD;
	s1 =	sshrl.u32 s1, $0x2  }
0xb9: {  	s3 =	sand.u32 $0x4000, s31;
	s1 =	sadd.s32 s1, s30  }
0xba: {  	s0 =	sor.u32 s3, s0;
	s1 =	sshll.u32 s1, $0x11  }
0xbb: {  	s0 =	sor.u32 s1, s0  }
0xbc: {  	s0 =	sadd.s32 $0x8F2B, s0  }
0xbd: {  	[sflag:s0] =	ssyncadd.remote.s32 $0x1  }
0xbe: {  	_ =	sfence.sel $0xFFFF  }
0xbf: {  	[dreg:$0x0] =	wrdreg $0xFFFFFFFF;
	(pc) =	sbr.abs _section_cstart, $3  }
0xc0: {  	[dreg:$0x1] =	wrdreg $0xFFFFFFFF  }
0xc1: {  	_ =	task.clear_ibuf [dreg:s7], $0x2FFFF;
	_ =	strace $0x9FFFFFFF  }
0xc2: {  	(tm) =	ssettm $0x7FFFFFFF  }
0xc3: {  	_ =	shalt  }
tec
execute0_lowered:
.L_overlay_start_1:
0x0: {  	(tag) =	ssettag $0x1  }
0x1: {  	s0 =	srdreg.scid;
	s1 =	rddreg [dreg:$0x0]  }
0x2: {  	s3 =	stileid.u32;
	s2 =	rddreg [dreg:$0x1];
	s11 =	simm.s32 $0x4000  }
0x3: {  	s12 =	simm.s32 $0x7;
	s13 =	simm.s32 $0x17800;
	s14 =	simm.s32 $0x100  }
0x4: {  	s15 =	simm.s32 $0x6400;
	s16 =	simm.s32 $0xE400;
	s17 =	simm.s32 $0xA400  }
0x5: {  	s18 =	simm.s32 $0xEC00;
	s19 =	simm.s32 $0x1;
	s20 =	simm.s32 $0x3  }
0x6: {  	s21 =	simm.s32 $0xF400;
	s22 =	simm.s32 $0x2;
	s23 =	simm.s32 $0x4  }
0x7: {  	v0 =	vlaneseq.u32;
	s24 =	simm.s32 $0x13600;
	s25 =	simm.s32 $0x5;
	s26 =	simm.s32 $0x6  }
0x8: {  	s0 =	sand.u32 $0x1, s0;
	s4 =	sshll.u32 s3, $0xA;
	s3 =	simm.s32 $0x0;
	v0 =	vmul.u32 $0x108, v0  }
0x9: {  	s28 =	simm.s32 $0x0;
	s5 =	sshll.u32 s0, $0x9;
	[smem:$0x7FF] =	sst s3  }
0xa: {  	s0 =	ssub.s32 $0x2, s0;
	s4 =	sor.u32 s5, s4;
	_ =	strace $0x80000047;
	v2 =	vadd.s32 $0x1080, v0;
	v58 =	vadd.s32 $0x2100, v0;
	[tilespmem:$0x1FFC0] =	vst v0;
	v0 =	vadd.s32 $0x3180, v0  }
0xb: {  	s6 =	sadd.s32 $0x19600, s1;
	s7 =	sshrl.u32 s0, $0x1;
	s5 =	sshrl.u32 s4, $0x3;
	[tilespmem:$0x1FFD0] =	vst v0  }
0xc: {  	s0 =	ssub.s32 s0, s7;
	s7 =	sadd.s32 $0x19800, s1;
	[tilespmem:$0x1FFE0] =	vst v58;
	s8 =	sadd.s32 s5, s1  }
0xd: {  	[tilespmem:$0x1FFF0] =	vst v2;
	s5 =	sadd.s32 $0xF42A00, s1;
	s9 =	smax.u32 s0, $0x1;
	s8 =	sadd.s32 $0x600, s8  }
.LBB2_1:
0xe: {  	s0 =	simm.s32 $0x200  }
0xf: {  	[tilespmem:s3], [sflag:$0x7] =	stream.strided.gather [hbm4b:s8+s0], $0x6400, s11, s0, $0x38;
	[tilespmem:$0x17A00] =	vst v63  }
0x10: {  	_ =	swait.ge [sflag:s12], $0x6400  }
0x11: {  	[sflag:s12] =	ssyncset.done $0x0  }
0x12: {  	[sflag:s12] =	ssyncadd.s32 $0xFFFF9C00  }
0x13: {  	[tilespmem:s13], [sflag:$0x7] =	stream.linear.gather [hbm4b:s6+s3], $0x200, $0x38;
	[tilespmem:$0x17A00] =	vst v63  }
0x14: {  	_ =	swait.ge [sflag:s12], $0x200  }
0x15: {  	[sflag:s12] =	ssyncset.done $0x0  }
0x16: {  	[sflag:s12] =	ssyncadd.s32 $0xFFFFFE00  }
0x17: {  	v0 =	vld [tilespmem:$0x17800]  }
0x18: {  	v1 =	vld [tilespmem:$0x17810]  }
0x19: {  	v4 =	vld [tilespmem:$0x17820]  }
0x1a: {  	v5 =	vld [tilespmem:$0x17830]  }
0x1b: {  	v6 =	vld [tilespmem:$0x17840]  }
0x1c: {  	v7 =	vld [tilespmem:$0x17850]  }
0x1d: {  	v8 =	vld [tilespmem:$0x17860]  }
0x1e: {  	v9 =	vld [tilespmem:$0x17870]  }
0x1f: {  	v10 =	vld [tilespmem:$0x17880]  }
0x20: {  	v11 =	vld [tilespmem:$0x17890]  }
0x21: {  	v12 =	vld [tilespmem:$0x178A0]  }
0x22: {  	v13 =	vld [tilespmem:$0x178B0]  }
0x23: {  	v14 =	vld [tilespmem:$0x178C0]  }
0x24: {  	v15 =	vld [tilespmem:$0x178D0]  }
0x25: {  	v16 =	vld [tilespmem:$0x178E0]  }
0x26: {  	v17 =	vld [tilespmem:$0x178F0]  }
0x27: {  	v18 =	vld [tilespmem:$0x17900]  }
0x28: {  	v19 =	vld [tilespmem:$0x17910]  }
0x29: {  	v30 =	vld [tilespmem:$0x17920]  }
0x2a: {  	v21 =	vld [tilespmem:$0x17930]  }
0x2b: {  	v22 =	vld [tilespmem:$0x17940]  }
0x2c: {  	v23 =	vld [tilespmem:$0x17950]  }
0x2d: {  	v25 =	vld [tilespmem:$0x17960]  }
0x2e: {  	v26 =	vld [tilespmem:$0x17970]  }
0x2f: {  	v27 =	vld [tilespmem:$0x17980];
	v0 =	vadd.f32 v0, v0  }
0x30: {  	v28 =	vld [tilespmem:$0x17990];
	v1 =	vadd.f32 v1, v1;
	v24 =	vadd.f32 v4, v4  }
0x31: {  	v29 =	vld [tilespmem:$0x179A0];
	v5 =	vadd.f32 v5, v5;
	v6 =	vadd.f32 v6, v6  }
0x32: {  	v60 =	vld [tilespmem:$0x179D0];
	v7 =	vadd.f32 v7, v7;
	v10 =	vadd.f32 v10, v10  }
0x33: {  	v61 =	vld [tilespmem:$0x179E0];
	v11 =	vadd.f32 v11, v11;
	v32 =	vadd.f32 v30, v30  }
0x34: {  	v31 =	vld [tilespmem:$0x179F0];
	v21 =	vadd.f32 v21, v21;
	v20 =	vpack.i.f32.bf16 v1, v0;
	v0 =	vadd.f32 v14, v14  }
0x35: {  	v1 =	vadd.f32 v15, v15;
	v14 =	vld [tilespmem:$0x179B0];
	v15 =	vadd.f32 v16, v16  }
0x36: {  	v16 =	vadd.f32 v17, v17;
	v17 =	vld [tilespmem:$0x179C0];
	v3 =	vpack.i.f32.bf16 v7, v6;
	v6 =	vpack.i.f32.bf16 v11, v10;
	[tilespmem:s15], [sflag:$0x1] =	stream.indirect.gather [hbm4b:s5+s14], $0x40, s3, s14, $0xb8  }
0x37: {  	v8 =	vadd.f32 v8, v8;
	v9 =	vadd.f32 v9, v9;
	[tilespmem:$0x1FEC0] =	vst v6  }
0x38: {  	v22 =	vadd.f32 v22, v22;
	v23 =	vadd.f32 v23, v23;
	v10 =	vpack.i.f32.bf16 v21, v32;
	[tilespmem:$0x1FED0] =	vst v20  }
0x39: {  	v18 =	vadd.f32 v18, v18;
	v19 =	vadd.f32 v19, v19;
	[tilespmem:$0x1FF10] =	vst v10  }
0x3a: {  	v11 =	vpack.i.f32.bf16 v23, v22;
	[tilespmem:$0x1FF40] =	vst v3  }
0x3b: {  	v4 =	vpack.i.f32.bf16 v5, v24;
	v5 =	vpack.i.f32.bf16 v9, v8;
	v9 =	vpack.i.f32.bf16 v19, v18;
	[tilespmem:$0x1FF70] =	vst v11  }
0x3c: {  	v12 =	vadd.f32 v12, v12;
	v13 =	vadd.f32 v13, v13;
	[tilespmem:$0x1FF80] =	vst v9  }
0x3d: {  	v25 =	vadd.f32 v25, v25;
	v26 =	vadd.f32 v26, v26;
	[tilespmem:$0x1FFA0] =	vst v5  }
0x3e: {  	[tilespmem:$0x1FFB0] =	vst v4  }
0x3f: {  	v6 =	vpack.i.f32.bf16 v13, v12;
	v12 =	vpack.i.f32.bf16 v26, v25;
	[tilespmem:s16], [sflag:$0x3] =	stream.indirect.gather [hbm4b:s2+s14], $0x8, s3, s14, $0xb8;
	[tilespmem:$0x17A00] =	vst v63  }
0x40: {  	[tilespmem:$0x1FF20] =	vst v12  }
0x41: {  	v21 =	vadd.f32 v31, v31;
	v8 =	vpack.i.f32.bf16 v16, v15;
	v16 =	vadd.f32 v61, v61;
	[tilespmem:$0x1FF30] =	vst v6  }
0x42: {  	v7 =	vpack.i.f32.bf16 v1, v0;
	v0 =	vadd.f32 v27, v27;
	v1 =	vadd.f32 v28, v28;
	[tilespmem:$0x1FF00] =	vst v8  }
0x43: {  	v62 =	vadd.f32 v29, v29;
	[tilespmem:$0x1FF90] =	vst v7;
	v16 =	vpack.i.f32.bf16 v21, v16;
	v63 =	vadd.f32 v14, v14  }
0x44: {  	v19 =	vadd.f32 v60, v60;
	v13 =	vpack.i.f32.bf16 v1, v0;
	v18 =	vadd.f32 v17, v17;
	[tilespmem:$0x1FEE0] =	vst v16  }
0x45: {  	[tilespmem:$0x1FF50] =	vst v13;
	v14 =	vpack.i.f32.bf16 v63, v62  }
0x46: {  	v15 =	vpack.i.f32.bf16 v19, v18;
	[tilespmem:$0x1FEF0] =	vst v14  }
0x47: {  	s29 =	simm.s32 $0x0;
	[tilespmem:$0x1FF60] =	vst v15  }
.LBB2_3:
0x48: {  	s0 =	sshll.u32 s29, $0x9  }
0x49: {  	s0 =	sand.u32 $0x3FFFFE00, s0  }
0x4a: {  	s0 =	sor.u32 $0x100, s0  }
0x4b: {  	[tilespmem:s17], [sflag:$0x2] =	stream.indirect.gather [hbm4b:s5+s14], $0x40, s0, s14, $0xb8;
	[tilespmem:$0x17A00] =	vst v63  }
0x4c: {  	_ = 	snop  }
0x4d: {  	[tilespmem:s18], [sflag:$0x4] =	stream.indirect.gather [hbm4b:s2+s14], $0x8, s0, s14, $0xb8;
	[tilespmem:$0x17A00] =	vst v63  }
0x4e: {  	_ =	swait.ge [sflag:s19], $0x4000  }
0x4f: {  	[sflag:s19] =	ssyncset.done $0x0  }
0x50: {  	s1 =	simm.s32 $0x0;
	[sflag:s19] =	ssyncadd.s32 $0xFFFFC000  }
0x51: {  	v0 =	vmov s1;
	_ =	swait.ge [sflag:s20], $0x800  }
0x52: {  	p0 =	seq.s32 s29, $0x0;
	v1 =	vshll.u32 v0, $0x3;
	[sflag:s20] =	ssyncset.done $0x0  }
0x53: {  	v17 =	vmov v20;
	v20 =	vor.u32 $0x6, v1;
	s0 =	simm.s32 @!p0 $0x5;
	[sflag:s20] =	ssyncadd.s32 $0xFFFFF800  }
0x54: {  	v21 =	vor.u32 $0x5, v1;
	_ =	swait.ge @!p0 [sflag:s0], $0x4000  }
0x55: {  	v22 =	vor.u32 $0x3, v1;
	[sflag:s0] =	ssyncset.done @!p0 $0x0  }
0x56: {  	s10 =	simm.s32 $0x1;
	v23 =	vor.u32 $0x2, v1;
	[sflag:s0] =	ssyncadd.s32 @!p0 $0xFFFFC000  }
0x57: {  	s1 =	simm.s32 $0x2;
	v29 =	vmov s10;
	v25 =	vor.u32 $0x1, v1;
	v24 =	vld.idx.msk [tilespmem:v1+s16+$0x0], $0xffff  }
0x58: {  	v31 =	vmov s1;
	v32 =	vshll.u32 v29, $0x3;
	s1 =	simm.s32 $0x3;
	v30 =	vld.idx.msk [tilespmem:v20+s16+$0x0], $0xffff  }
0x59: {  	v34 =	vshll.u32 v31, $0x3;
	v45 =	vmov s1;
	v33 =	vld.idx.msk [tilespmem:v21+s16+$0x0], $0xffff  }
0x5a: {  	v27 =	vor.u32 $0x7, v1;
	v39 =	vor.u32 $0x1, v32;
	v49 =	vshll.u32 v45, $0x3;
	v36 =	vld.idx.msk [tilespmem:v22+s16+$0x0], $0xffff  }
0x5b: {  	v35 =	vor.u32 $0x7, v32;
	v37 =	vor.u32 $0x6, v32;
	v50 =	vor.u32 $0x1, v49;
	v40 =	vld.idx.msk [tilespmem:v23+s16+$0x0], $0xffff  }
0x5c: {  	v42 =	vor.u32 $0x4, v32;
	v47 =	vor.u32 $0x3, v32;
	v38 =	vor.u32 $0x6, v34;
	v41 =	vld.idx.msk [tilespmem:v25+s16+$0x0], $0xffff  }
0x5d: {  	v44 =	vor.u32 $0x4, v34;
	v53 =	vor.u32 $0x2, v34;
	v23 =	vor.u32 $0x1, v34;
	v43 =	vld.idx.msk [tilespmem:v32+s16+$0x0], $0xffff  }
0x5e: {  	v45 =	vand.u32 $0xFF, v45;
	v57 =	vor.u32 $0x2, v49;
	v60 =	vor.u32 $0x3, v49;
	v46 =	vld.idx.msk [tilespmem:v34+s16+$0x0], $0xffff  }
0x5f: {  	v21 =	vand.u32 $0xFC, v0;
	v39 =	vld.idx.msk [tilespmem:v39+s16+$0x0], $0xffff;
	v48 =	vmul.bf16 v24, v17;
	v24 =	vmul.bf16 v24, v4  }
0x60: {  	v0 =	vor.u32 $0x5, v32;
	v50 =	vld.idx.msk [tilespmem:v50+s16+$0x0], $0xffff;
	v26 =	vmul.bf16 v33, v12;
	v25 =	vmul.bf16 v30, v14  }
0x61: {  	v19 =	vld [tilespmem:$0x1FFC0];
	v32 =	vor.u32 $0x2, v32;
	v51 =	vmul.bf16 v36, v8;
	v54 =	vmul.bf16 v41, v5  }
0x62: {  	v52 =	vld.idx.msk [tilespmem:v23+s16+$0x0], $0xffff;
	v55 =	vmul.bf16 v40, v6;
	v23 =	vand.u32 $0xFD, v29;
	v29 =	vmul.bf16 v43, v4  }
0x63: {  	v20 =	vadd.s32 v2, v21;
	v17 =	vmovc v2;
	v41 =	vmul.bf16 v41, v3;
	v56 =	vmul.bf16 v46, v4;
	v2 =	vld [tilespmem:$0x1FED0]  }
0x64: {  	v1 =	vor.u32 $0x4, v1;
	v59 =	vmul.bf16 v39, v5;
	v39 =	vmul.bf16 v39, v3  }
0x65: {  	v18 =	vmovc v6;
	v22 =	vadd.s32 v58, v21;
	v6 =	vld [tilespmem:$0x1FEC0];
	v63 =	vmul.bf16 v50, v3;
	v36 =	vmul.bf16 v36, v7  }
0x66: {  	v28 =	vadd.s32 v19, v21;
	v32 =	vld.idx.msk [tilespmem:v32+s16+$0x0], $0xffff;
	v30 =	vmul.bf16 v30, v13;
	v33 =	vmul.bf16 v33, v11  }
0x67: {  	v50 =	vmul.bf16 v50, v5;
	v54 =	vadd.bf16 v54, v24;
	v24 =	vand.u32 $0xFE, v31;
	v31 =	vld.idx.msk [tilespmem:v53+s16+$0x0], $0xffff  }
0x68: {  	v41 =	vadd.bf16 v41, v48;
	v29 =	vadd.bf16 v59, v29;
	v43 =	vmul.bf16 v43, v2;
	v2 =	vld [tilespmem:$0x1FED0]  }
0x69: {  	v53 =	vor.u32 $0x3, v34;
	v59 =	vld.idx.msk [tilespmem:v60+s16+$0x0], $0xffff;
	v60 =	vor.u32 $0x6, v49;
	v54 =	vadd.bf16 v55, v54  }
0x6a: {  	v27 =	vld.idx.msk [tilespmem:v27+s16+$0x0], $0xffff;
	v55 =	vor.u32 $0x5, v34;
	v40 =	vmul.bf16 v40, v6;
	v48 =	vmul.bf16 v52, v5  }
0x6b: {  	v58 =	vld.idx.msk [tilespmem:v49+s16+$0x0], $0xffff;
	v34 =	vor.u32 $0x7, v34;
	v52 =	vmul.bf16 v52, v3;
	v61 =	vmul.bf16 v32, v18  }
0x6c: {  	v32 =	vmul.bf16 v32, v6;
	v51 =	vadd.bf16 v51, v54;
	v40 =	vadd.bf16 v40, v41;
	v41 =	vld.idx.msk [tilespmem:v47+s16+$0x0], $0xffff  }
0x6d: {  	v54 =	vadd.s32 v19, v45;
	v48 =	vadd.bf16 v48, v56;
	v46 =	vmul.bf16 v46, v2;
	v2 =	vld [tilespmem:$0x1FED0]  }
0x6e: {  	v1 =	vld.idx.msk [tilespmem:v1+s16+$0x0], $0xffff;
	v56 =	vor.u32 $0x4, v49;
	v39 =	vadd.bf16 v39, v43;
	v62 =	vmul.bf16 v31, v18  }
0x6f: {  	v57 =	vld.idx.msk [tilespmem:v57+s16+$0x0], $0xffff;
	v29 =	vadd.bf16 v61, v29;
	v31 =	vmul.bf16 v31, v6;
	v61 =	vmul.bf16 v59, v7  }
0x70: {  	v44 =	vld.idx.msk [tilespmem:v44+s16+$0x0], $0xffff;
	v47 =	vadd.bf16 v62, v48;
	v46 =	vadd.bf16 v52, v46;
	v52 =	vor.u32 $0x5, v49  }
0x71: {  	v42 =	vld.idx.msk [tilespmem:v42+s16+$0x0], $0xffff;
	v59 =	vmul.bf16 v59, v8;
	v32 =	vadd.bf16 v32, v39;
	v36 =	vadd.bf16 v36, v40  }
0x72: {  	v53 =	vld.idx.msk [tilespmem:v53+s16+$0x0], $0xffff;
	v49 =	vor.u32 $0x7, v49;
	v62 =	vmul.bf16 v41, v7;
	v43 =	vmul.bf16 v58, v2  }
0x73: {  	v56 =	vld.idx.msk [tilespmem:v56+s16+$0x0], $0xffff;
	v41 =	vmul.bf16 v41, v8;
	v31 =	vadd.bf16 v31, v46;
	v46 =	vmul.bf16 v1, v10  }
0x74: {  	v0 =	vld.idx.msk [tilespmem:v0+s16+$0x0], $0xffff;
	v1 =	vmul.bf16 v1, v9;
	v43 =	vadd.bf16 v63, v43;
	v63 =	vmul.bf16 v57, v6  }
0x75: {  	v32 =	vadd.bf16 v62, v32;
	v62 =	vmul.bf16 v44, v9;
	v29 =	vadd.bf16 v41, v29;
	v52 =	vld.idx.msk [tilespmem:v52+s16+$0x0], $0xffff  }
0x76: {  	v55 =	vld.idx.msk [tilespmem:v55+s16+$0x0], $0xffff;
	v44 =	vmul.bf16 v44, v10;
	v1 =	vadd.bf16 v1, v36;
	v43 =	vadd.bf16 v63, v43  }
0x77: {  	v39 =	vld.idx.msk [tilespmem:v60+s16+$0x0], $0xffff;
	v36 =	vmul.bf16 v27, v15;
	v46 =	vadd.bf16 v46, v51;
	v63 =	vmul.bf16 v53, v7  }
0x78: {  	v37 =	vld.idx.msk [tilespmem:v37+s16+$0x0], $0xffff;
	v60 =	vmul.bf16 v56, v9;
	v57 =	vmul.bf16 v57, v18;
	v43 =	vadd.bf16 v61, v43  }
0x79: {  	v49 =	vld.idx.msk [tilespmem:v49+s16+$0x0], $0xffff;
	v1 =	vadd.bf16 v33, v1;
	v31 =	vadd.bf16 v63, v31;
	v61 =	vmul.bf16 v42, v9  }
0x7a: {  	v38 =	vld.idx.msk [tilespmem:v38+s16+$0x0], $0xffff;
	v26 =	vadd.bf16 v26, v46;
	v40 =	vadd.bf16 v60, v43;
	v60 =	vmul.bf16 v52, v11  }
0x7b: {  	v35 =	vld.idx.msk [tilespmem:v35+s16+$0x0], $0xffff;
	v63 =	vmul.bf16 v0, v11;
	v32 =	vadd.bf16 v61, v32;
	v31 =	vadd.bf16 v62, v31  }
0x7c: {  	v61 =	vmul.bf16 v55, v11;
	v62 =	vmul.bf16 v39, v13;
	v40 =	vadd.bf16 v60, v40  }
0x7d: {  	s30 =	smov.u32 s29;
	s29 =	simm.s32 $0x6480;
	v34 =	vld.idx.msk [tilespmem:v34+s16+$0x0], $0xffff;
	v1 =	vadd.bf16 v30, v1;
	v32 =	vadd.bf16 v63, v32;
	v63 =	vmul.bf16 v37, v13  }
0x7e: {  	v48 =	vld [tilespmem:s29+$0x40];
	v31 =	vadd.bf16 v61, v31;
	v61 =	vmul.bf16 v49, v15;
	v30 =	vadd.bf16 v62, v40  }
0x7f: {  	v53 =	vmul.bf16 v53, v8;
	v25 =	vadd.bf16 v25, v26;
	v60 =	vmul.bf16 v38, v13  }
0x80: {  	v33 =	vld [tilespmem:s29+$0xFFFFFF80];
	v32 =	vadd.bf16 v63, v32;
	v62 =	vmul.bf16 v35, v15;
	v30 =	vadd.bf16 v61, v30  }
0x81: {  	v42 =	vmul.bf16 v42, v10;
	v1 =	vadd.bf16 v36, v1;
	v36 =	vld [tilespmem:s29+$0xFFFFFFC0];
	v31 =	vadd.bf16 v60, v31  }
0x82: {  	v63 =	vmul.bf16 v34, v15;
	v32 =	vadd.bf16 v62, v32;
	v60 =	vunpack.i.l.bf16.f32 v30  }
0x83: {  	v61 =	vmul.bf16 v58, v4;
	v58 =	vld [tilespmem:s29+$0x0];
	v40 =	vadd.f32 v48, v60;
	v60 =	vadd.s32 v19, v23  }
0x84: {  	v2 =	vld [tilespmem:$0x1FFE0];
	v29 =	vadd.bf16 v42, v29;
	v31 =	vadd.bf16 v63, v31;
	v62 =	vunpack.i.l.bf16.f32 v1  }
0x85: {  	v33 =	vadd.f32 v33, v62;
	v62 =	vadd.s32 v19, v24;
	v63 =	vunpack.i.l.bf16.f32 v32  }
0x86: {  	v0 =	vmul.bf16 v0, v12;
	v43 =	vadd.bf16 v50, v61;
	v36 =	vadd.f32 v36, v63  }
0x87: {  	v39 =	vmul.bf16 v39, v14;
	v37 =	vmul.bf16 v37, v14;
	v61 =	vunpack.i.l.bf16.f32 v31;
	[tilespmem:v54+s21+$0x0] =	vst.idx.msk $0xffff, v40  }
0x88: {  	v43 =	vadd.bf16 v57, v43;
	v40 =	vadd.f32 v58, v61;
	v57 =	vld [tilespmem:s29+$0x50];
	[tilespmem:v60+s21+$0x0] =	vst.idx.msk $0xffff, v36  }
0x89: {  	v38 =	vmul.bf16 v38, v14;
	v0 =	vadd.bf16 v0, v29;
	v48 =	vadd.s32 v2, v23;
	v41 =	vld [tilespmem:s29+$0xFFFFFFD0]  }
0x8a: {  	v63 =	vadd.bf16 v53, v47;
	v47 =	vadd.s32 v17, v45;
	v2 =	vld [tilespmem:$0x1FFE0];
	[tilespmem:v62+s21+$0x0] =	vst.idx.msk $0xffff, v40  }
0x8b: {  	v29 =	vmul.bf16 v55, v12;
	v50 =	vadd.s32 v17, v23;
	v30 =	vunpack.i.u.bf16.f32 v30;
	[tilespmem:v28+s21+$0x0] =	vst.idx.msk $0xffff, v33;
	v28 =	vld [tilespmem:s29+$0x10]  }
0x8c: {  	v43 =	vadd.bf16 v59, v43;
	v60 =	vmul.bf16 v56, v10;
	v36 =	vadd.bf16 v44, v63;
	v63 =	vld [tilespmem:s29+$0xFFFFFF90]  }
0x8d: {  	v32 =	vunpack.i.u.bf16.f32 v32;
	v58 =	vadd.s32 v17, v24;
	v30 =	vadd.f32 v57, v30  }
0x8e: {  	v62 =	vmul.bf16 v52, v12;
	v61 =	vadd.bf16 v60, v43;
	v32 =	vadd.f32 v41, v32  }
0x8f: {  	v35 =	vmul.bf16 v35, v16;
	v0 =	vadd.bf16 v37, v0;
	[tilespmem:v47+s21+$0x0] =	vst.idx.msk $0xffff, v30;
	v30 =	vunpack.i.u.bf16.f32 v31  }
0x90: {  	v1 =	vunpack.i.u.bf16.f32 v1;
	v33 =	vadd.bf16 v62, v61;
	v28 =	vadd.f32 v28, v30;
	[tilespmem:v50+s21+$0x0] =	vst.idx.msk $0xffff, v32  }
0x91: {  	v49 =	vmul.bf16 v49, v16;
	v29 =	vadd.bf16 v29, v36;
	v1 =	vadd.f32 v63, v1;
	v30 =	vld [tilespmem:s29+$0xFFFFFFE0]  }
0x92: {  	s10 =	simm.s32 $0x4;
	v0 =	vadd.bf16 v35, v0;
	v31 =	vadd.bf16 v39, v33;
	v52 =	vld [tilespmem:s29+$0x60];
	[tilespmem:v58+s21+$0x0] =	vst.idx.msk $0xffff, v28  }
0x93: {  	v51 =	vmov s10;
	v28 =	vmul.bf16 v34, v16;
	[tilespmem:v20+s21+$0x0] =	vst.idx.msk $0xffff, v1;
	v1 =	vadd.bf16 v38, v29;
	v29 =	vld [tilespmem:s29+$0x20]  }
0x94: {  	v26 =	vmul.bf16 v27, v16;
	v53 =	vadd.s32 v2, v45;
	v31 =	vadd.bf16 v49, v31  }
0x95: {  	v55 =	vunpack.i.l.bf16.f32 v0;
	v1 =	vadd.bf16 v28, v1;
	v28 =	vadd.s32 v2, v24  }
0x96: {  	v25 =	vadd.bf16 v26, v25;
	v20 =	vunpack.i.l.bf16.f32 v31;
	v26 =	vadd.f32 v30, v55  }
0x97: {  	v56 =	vshll.u32 v51, $0x3;
	v20 =	vadd.f32 v52, v20;
	v30 =	vunpack.i.l.bf16.f32 v1  }
0x98: {  	v54 =	vor.u32 $0x6, v56;
	[tilespmem:v48+s21+$0x0] =	vst.idx.msk $0xffff, v26;
	v26 =	vadd.f32 v29, v30  }
0x99: {  	v27 =	vld [tilespmem:s29+$0xFFFFFFA0];
	[tilespmem:v53+s21+$0x0] =	vst.idx.msk $0xffff, v20  }
0x9a: {  	[tilespmem:v28+s21+$0x0] =	vst.idx.msk $0xffff, v26  }
0x9b: {  	v3 =	vld [tilespmem:$0x1FFD0]  }
0x9c: {  	v44 =	vor.u32 $0x7, v56;
	v36 =	vld.idx.msk [tilespmem:v56+s16+$0x0], $0xffff  }
0x9d: {  	v33 =	vld.idx.msk [tilespmem:v54+s16+$0x0], $0xffff;
	v58 =	vunpack.i.l.bf16.f32 v25  }
0x9e: {  	v32 =	vld [tilespmem:s29+$0x70];
	v27 =	vadd.f32 v27, v58;
	v29 =	vor.u32 $0x4, v56  }
0x9f: {  	v0 =	vunpack.i.u.bf16.f32 v0;
	v30 =	vld [tilespmem:s29+$0xFFFFFFF0];
	v28 =	vor.u32 $0x2, v56  }
0xa0: {  	s10 =	simm.s32 $0x6;
	v59 =	vor.u32 $0x3, v56;
	v57 =	vor.u32 $0x5, v56;
	[tilespmem:v22+s21+$0x0] =	vst.idx.msk $0xffff, v27;
	v22 =	vld [tilespmem:s29+$0x30];
	v26 =	vadd.s32 v3, v45  }
0xa1: {  	s1 =	simm.s32 $0x5;
	v60 =	vmov s10;
	v61 =	vor.u32 $0x1, v56;
	v16 =	vld.idx.msk [tilespmem:v44+s16+$0x0], $0xffff;
	v23 =	vadd.s32 v3, v23  }
0xa2: {  	v31 =	vunpack.i.u.bf16.f32 v31;
	v27 =	vmov s1;
	v62 =	vld [tilespmem:s29+$0xFFFFFFB0];
	v24 =	vadd.s32 v3, v24  }
0xa3: {  	v41 =	vshll.u32 v27, $0x3;
	v53 =	vld.idx.msk [tilespmem:v29+s16+$0x0], $0xffff;
	v63 =	vadd.s32 v3, v21;
	v21 =	vadd.f32 v32, v31  }
0xa4: {  	v50 =	vshll.u32 v60, $0x3;
	v29 =	vadd.f32 v30, v0;
	v0 =	vunpack.i.u.bf16.f32 v1;
	v1 =	vld.idx.msk [tilespmem:v28+s16+$0x0], $0xffff  }
0xa5: {  	v45 =	vld.idx.msk [tilespmem:v57+s16+$0x0], $0xffff;
	v22 =	vadd.f32 v22, v0;
	[tilespmem:v26+s21+$0x0] =	vst.idx.msk $0xffff, v21  }
0xa6: {  	v32 =	vld.idx.msk [tilespmem:v59+s16+$0x0], $0xffff;
	v3 =	vand.u32 $0xFC, v51;
	[tilespmem:v23+s21+$0x0] =	vst.idx.msk $0xffff, v29  }
0xa7: {  	v0 =	vld.idx.msk [tilespmem:v61+s16+$0x0], $0xffff;
	v46 =	vadd.s32 v2, v3;
	[tilespmem:v24+s21+$0x0] =	vst.idx.msk $0xffff, v22  }
0xa8: {  	v49 =	vld.idx.msk [tilespmem:v41+s16+$0x0], $0xffff;
	v47 =	vadd.s32 v19, v3;
	[tilespmem:$0x1FE40] =	vst v46  }
0xa9: {  	v21 =	vunpack.i.u.bf16.f32 v25;
	v52 =	vld.idx.msk [tilespmem:v50+s16+$0x0], $0xffff;
	[tilespmem:$0x1FE50] =	vst v47  }
0xaa: {  	v23 =	vadd.f32 v62, v21;
	[tilespmem:$0x1FE60] =	vst v3;
	v3 =	vadd.s32 v17, v3  }
0xab: {  	[tilespmem:$0x1FE70] =	vst v3  }
0xac: {  	[tilespmem:v63+s21+$0x0] =	vst.idx.msk $0xffff, v23  }
0xad: {  	v31 =	vor.u32 $0x7, v41;
	v3 =	vld [tilespmem:$0x1FED0]  }
0xae: {  	v30 =	vor.u32 $0x6, v41  }
0xaf: {  	v25 =	vor.u32 $0x6, v50;
	_ =	sdelay $0x2  }
0xb0: {  	v35 =	vld.idx.msk [tilespmem:v31+s16+$0x0], $0xffff;
	v61 =	vmul.bf16 v36, v3;
	v3 =	vmul.bf16 v45, v12  }
0xb1: {  	v26 =	vor.u32 $0x5, v41;
	v37 =	vld.idx.msk [tilespmem:v30+s16+$0x0], $0xffff  }
0xb2: {  	v39 =	vor.u32 $0x4, v41;
	v31 =	vld.idx.msk [tilespmem:v25+s16+$0x0], $0xffff;
	[tilespmem:$0x1FE80] =	vst v3;
	v3 =	vmul.bf16 v33, v14  }
0xb3: {  	v48 =	vor.u32 $0x4, v50  }
0xb4: {  	v51 =	vor.u32 $0x3, v41;
	[tilespmem:$0x1FE90] =	vst v3;
	v3 =	vmul.bf16 v53, v10  }
0xb5: {  	v22 =	vmov v6;
	v6 =	vor.u32 $0x2, v41;
	v20 =	vld [tilespmem:$0x1FED0]  }
0xb6: {  	v38 =	vmul.bf16 v36, v4;
	v43 =	vmul.bf16 v33, v13;
	v12 =	vor.u32 $0x2, v50;
	v40 =	vld.idx.msk [tilespmem:v26+s16+$0x0], $0xffff;
	[tilespmem:$0x1FEA0] =	vst v3  }
0xb7: {  	v55 =	vor.u32 $0x1, v50;
	v56 =	vmul.bf16 v53, v9;
	v14 =	vor.u32 $0x1, v41;
	v42 =	vld.idx.msk [tilespmem:v39+s16+$0x0], $0xffff  }
0xb8: {  	v24 =	vand.u32 $0xFD, v27;
	v34 =	vmul.bf16 v32, v8;
	v44 =	vmul.bf16 v0, v5;
	v36 =	vld.idx.msk [tilespmem:v48+s16+$0x0], $0xffff  }
0xb9: {  	v62 =	vmul.bf16 v32, v7;
	v23 =	vand.u32 $0xFE, v60;
	v60 =	vadd.s32 v2, v24;
	v47 =	vld.idx.msk [tilespmem:v51+s16+$0x0], $0xffff;
	[tilespmem:$0x1FEB0] =	vst v16  }
0xba: {  	v32 =	vadd.s32 v17, v23;
	v46 =	vmul.bf16 v52, v4;
	v41 =	vmul.bf16 v16, v15;
	v54 =	vld.idx.msk [tilespmem:v6+s16+$0x0], $0xffff  }
0xbb: {  	v53 =	vmul.bf16 v45, v11;
	v39 =	vmul.bf16 v1, v18;
	v51 =	vor.u32 $0x7, v50;
	v45 =	vld.idx.msk [tilespmem:v12+s16+$0x0], $0xffff  }
0xbc: {  	s31 =	simm.s32 $0x8;
	s1 =	simm.s32 $0x7;
	v33 =	vadd.s32 v17, v24;
	v48 =	vmul.bf16 v49, v4;
	v1 =	vmul.bf16 v1, v22;
	v57 =	vld.idx.msk [tilespmem:v14+s16+$0x0], $0xffff  }
.LBB2_4:
0xbd: {  	v9 =	vld [tilespmem:$0x1FFC0]  }
0xbe: {  	v25 =	vld [tilespmem:$0x1FF40]  }
0xbf: {  	v4 =	vld.idx.msk [tilespmem:v55+s16+$0x0], $0xffff  }
0xc0: {  	v51 =	vld.idx.msk [tilespmem:v51+s16+$0x0], $0xffff  }
0xc1: {  	v26 =	vld [tilespmem:$0x1FEF0]  }
0xc2: {  	v28 =	vld [tilespmem:$0x1FF10]  }
0xc3: {  	v29 =	vld [tilespmem:$0x1FF20]  }
0xc4: {  	v30 =	vld [tilespmem:$0x1FF30]  }
0xc5: {  	[tilespmem:$0x1FE30] =	vst v60;
	v5 =	vmov s1;
	v60 =	vld [tilespmem:$0x1FFA0]  }
0xc6: {  	v27 =	vld [tilespmem:$0x1FF00];
	v7 =	vshll.u32 v5, $0x3  }
0xc7: {  	v12 =	vld [tilespmem:$0x1FFC0];
	v8 =	vor.u32 $0x1, v7  }
0xc8: {  	[tilespmem:$0x1FE00] =	vst v32;
	v32 =	vld [tilespmem:$0x1FF50]  }
0xc9: {  	v3 =	vmul.bf16 v49, v20;
	v21 =	vld [tilespmem:$0x1FF80];
	v10 =	vor.u32 $0x2, v7;
	v2 =	vmul.bf16 v0, v25  }
0xca: {  	v16 =	vor.u32 $0x3, v7;
	v0 =	vmovc v20;
	v20 =	vld [tilespmem:$0x1FEE0];
	v11 =	vmul.bf16 v54, v30;
	v13 =	vmul.bf16 v57, v60  }
0xcb: {  	v57 =	vmul.bf16 v57, v25;
	v54 =	vmul.bf16 v54, v22;
	v22 =	vor.u32 $0x5, v7;
	v15 =	vld.idx.msk [tilespmem:v7+s16+$0x0], $0xffff  }
0xcc: {  	v17 =	vor.u32 $0x3, v50;
	v50 =	vor.u32 $0x5, v50;
	v38 =	vadd.bf16 v44, v38;
	v8 =	vld.idx.msk [tilespmem:v8+s16+$0x0], $0xffff  }
0xcd: {  	v19 =	vor.u32 $0x4, v7;
	v44 =	vor.u32 $0x6, v7;
	v3 =	vadd.bf16 v57, v3;
	v57 =	vld [tilespmem:$0x1FED0]  }
0xce: {  	v38 =	vadd.bf16 v39, v38;
	v55 =	vmul.bf16 v40, v29;
	v10 =	vld.idx.msk [tilespmem:v10+s16+$0x0], $0xffff;
	v2 =	vadd.bf16 v2, v61  }
0xcf: {  	v63 =	vadd.s32 v12, v23;
	v12 =	vmul.bf16 v45, v30;
	v14 =	vmul.bf16 v4, v60;
	v16 =	vld.idx.msk [tilespmem:v16+s16+$0x0], $0xffff  }
0xd0: {  	v4 =	vmul.bf16 v4, v25;
	v13 =	vadd.bf16 v13, v48;
	v1 =	vadd.bf16 v1, v2;
	v2 =	vld.idx.msk [tilespmem:v22+s16+$0x0], $0xffff  }
0xd1: {  	v34 =	vadd.bf16 v34, v38;
	[tilespmem:$0x1FDE0] =	vst v55;
	v14 =	vadd.bf16 v14, v46;
	v6 =	vmul.bf16 v35, v20;
	v22 =	vld [tilespmem:$0x1FEC0]  }
0xd2: {  	v55 =	vmovc v33;
	v33 =	vld [tilespmem:$0x1FF70];
	v11 =	vadd.bf16 v11, v13;
	v46 =	vmul.bf16 v15, v57;
	v61 =	vmul.bf16 v8, v25  }
0xd3: {  	v59 =	vld [tilespmem:$0x1FF90];
	v12 =	vadd.bf16 v12, v14;
	v1 =	vadd.bf16 v62, v1;
	[tilespmem:$0x1FE10] =	vst v6;
	v6 =	vmul.bf16 v52, v0  }
0xd4: {  	v0 =	vmul.bf16 v37, v26;
	v52 =	vmul.bf16 v42, v28;
	v57 =	vadd.bf16 v61, v46;
	v61 =	vld [tilespmem:$0x1FEC0]  }
0xd5: {  	v19 =	vld.idx.msk [tilespmem:v19+s16+$0x0], $0xffff;
	v37 =	vmul.bf16 v37, v32;
	v42 =	vmul.bf16 v42, v21;
	v1 =	vadd.bf16 v56, v1  }
0xd6: {  	v17 =	vld.idx.msk [tilespmem:v17+s16+$0x0], $0xffff;
	v4 =	vadd.bf16 v4, v6;
	v6 =	vor.u32 $0x7, v7;
	v22 =	vmul.bf16 v10, v22  }
0xd7: {  	v3 =	vadd.bf16 v54, v3;
	[tilespmem:$0x1FDF0] =	vst v0;
	v0 =	vmul.bf16 v31, v26;
	v40 =	vmul.bf16 v40, v33  }
0xd8: {  	v14 =	vld.idx.msk [tilespmem:v44+s16+$0x0], $0xffff;
	v1 =	vadd.bf16 v53, v1;
	v7 =	vadd.bf16 v22, v57;
	v22 =	vmul.bf16 v16, v59  }
0xd9: {  	v58 =	vld [tilespmem:$0x1FF60];
	[tilespmem:$0x1FE20] =	vst v0;
	v0 =	vadd.s32 v9, v24;
	v9 =	vmul.bf16 v47, v27;
	v39 =	vmul.bf16 v45, v61  }
0xda: {  	v13 =	vld.idx.msk [tilespmem:v50+s16+$0x0], $0xffff;
	v47 =	vmul.bf16 v47, v59;
	v7 =	vadd.bf16 v22, v7;
	v22 =	vmul.bf16 v19, v21  }
0xdb: {  	s29 =	sadd.s32 $0x100, s29;
	v1 =	vadd.bf16 v43, v1;
	v45 =	vmul.bf16 v17, v59;
	v6 =	vld.idx.msk [tilespmem:v6+s16+$0x0], $0xffff;
	v4 =	vadd.bf16 v39, v4  }
0xdc: {  	v50 =	vld [tilespmem:s29+$0xFFFFFF80];
	v3 =	vadd.bf16 v47, v3;
	v7 =	vadd.bf16 v22, v7;
	v22 =	vmul.bf16 v2, v33  }
0xdd: {  	v38 =	vld [tilespmem:$0x1FE70];
	v46 =	vmul.bf16 v36, v21;
	v1 =	vadd.bf16 v41, v1;
	v4 =	vadd.bf16 v45, v4  }
0xde: {  	v48 =	vld [tilespmem:s29+$0x40];
	v3 =	vadd.bf16 v42, v3;
	v7 =	vadd.bf16 v22, v7;
	v22 =	vmul.bf16 v14, v32  }
0xdf: {  	v25 =	vld [tilespmem:$0x1FFF0];
	v47 =	vmul.bf16 v13, v33;
	v54 =	vunpack.i.l.bf16.f32 v1;
	v4 =	vadd.bf16 v46, v4  }
0xe0: {  	v43 =	vld [tilespmem:$0x1FFB0];
	v3 =	vadd.bf16 v40, v3;
	v7 =	vadd.bf16 v22, v7;
	v22 =	vmul.bf16 v6, v58  }
0xe1: {  	v31 =	vmul.bf16 v31, v32;
	v57 =	vadd.f32 v50, v54;
	v50 =	vld [tilespmem:$0x1FE50];
	v4 =	vadd.bf16 v47, v4  }
0xe2: {  	v7 =	vadd.bf16 v22, v7;
	v22 =	vld [tilespmem:$0x1FFC0]  }
0xe3: {  	v35 =	vmul.bf16 v35, v58;
	v3 =	vadd.bf16 v37, v3;
	v4 =	vadd.bf16 v31, v4;
	v31 =	vld [tilespmem:s29+$0xFFFFFFC0]  }
0xe4: {  	v49 =	vmul.bf16 v36, v28;
	v45 =	vld [tilespmem:$0x1FEA0]  }
0xe5: {  	v8 =	vmul.bf16 v8, v60;
	v36 =	vld [tilespmem:$0x1FED0];
	v15 =	vmul.bf16 v15, v43;
	v3 =	vadd.bf16 v35, v3  }
0xe6: {  	v5 =	vand.u32 $0xFF, v5;
	v18 =	vmul.bf16 v51, v58;
	v39 =	vld [tilespmem:$0x1FFE0]  }
0xe7: {  	v8 =	vadd.bf16 v8, v15;
	v15 =	vld [tilespmem:$0x1FE80];
	v56 =	vunpack.i.l.bf16.f32 v3;
	v22 =	vadd.s32 v22, v5  }
0xe8: {  	v4 =	vadd.bf16 v18, v4;
	v18 =	vld [tilespmem:s29+$0x0];
	v41 =	vadd.f32 v31, v56  }
0xe9: {  	v44 =	vmul.bf16 v16, v27;
	v16 =	vadd.bf16 v45, v34;
	v34 =	vld [tilespmem:$0x1FFC0];
	v53 =	vunpack.i.l.bf16.f32 v7;
	[tilespmem:v50+s21+$0x0] =	vst.idx.msk $0xffff, v57  }
0xea: {  	v35 =	vadd.f32 v48, v53;
	v53 =	vld [tilespmem:s29+$0xFFFFFF90];
	[tilespmem:v0+s21+$0x0] =	vst.idx.msk $0xffff, v41  }
0xeb: {  	v10 =	vmul.bf16 v10, v30;
	v46 =	vld [tilespmem:s29+$0xFFFFFFD0]  }
0xec: {  	v9 =	vadd.bf16 v9, v11;
	v48 =	vmul.bf16 v19, v28;
	v19 =	vld [tilespmem:$0x1FDE0];
	v42 =	vunpack.i.l.bf16.f32 v4;
	[tilespmem:v22+s21+$0x0] =	vst.idx.msk $0xffff, v35  }
0xed: {  	v8 =	vadd.bf16 v10, v8;
	v11 =	vadd.f32 v18, v42;
	v18 =	vld [tilespmem:s29+$0x50]  }
0xee: {  	v9 =	vadd.bf16 v52, v9;
	v1 =	vunpack.i.u.bf16.f32 v1;
	v41 =	vld [tilespmem:$0x1FE90]  }
0xef: {  	v47 =	vadd.s32 v25, v5;
	v8 =	vadd.bf16 v44, v8;
	v3 =	vunpack.i.u.bf16.f32 v3;
	v42 =	vld [tilespmem:$0x1FEB0]  }
0xf0: {  	v17 =	vmul.bf16 v17, v27;
	v1 =	vadd.f32 v53, v1;
	v53 =	vld [tilespmem:$0x1FE40];
	v3 =	vadd.f32 v46, v3  }
0xf1: {  	v2 =	vmul.bf16 v2, v29;
	v7 =	vunpack.i.u.bf16.f32 v7;
	v8 =	vadd.bf16 v48, v8;
	v35 =	vld [tilespmem:$0x1FE00]  }
0xf2: {  	v0 =	vadd.bf16 v17, v12;
	v7 =	vadd.f32 v18, v7;
	[tilespmem:v55+s21+$0x0] =	vst.idx.msk $0xffff, v3;
	v3 =	vld [tilespmem:$0x1FDF0]  }
0xf3: {  	v54 =	vmul.bf16 v14, v26;
	v2 =	vadd.bf16 v2, v8;
	[tilespmem:v38+s21+$0x0] =	vst.idx.msk $0xffff, v1;
	v1 =	vld [tilespmem:$0x1FE10]  }
0xf4: {  	v6 =	vmul.bf16 v6, v20;
	v0 =	vadd.bf16 v49, v0;
	v49 =	vld [tilespmem:$0x1FE30];
	[tilespmem:v47+s21+$0x0] =	vst.idx.msk $0xffff, v7  }
0xf5: {  	v9 =	vadd.bf16 v19, v9;
	v2 =	vadd.bf16 v54, v2;
	[tilespmem:v63+s21+$0x0] =	vst.idx.msk $0xffff, v11;
	v7 =	vld [tilespmem:s29+$0x60]  }
0xf6: {  	v13 =	vmul.bf16 v13, v29;
	v61 =	vadd.s32 v39, v5;
	v31 =	vmov s31;
	v52 =	vld [tilespmem:s29+$0x10]  }
0xf7: {  	v17 =	vshll.u32 v31, $0x3;
	v2 =	vadd.bf16 v6, v2;
	v57 =	vld [tilespmem:s29+$0xFFFFFFE0];
	v3 =	vadd.bf16 v3, v9  }
0xf8: {  	v10 =	vadd.bf16 v15, v16;
	v4 =	vunpack.i.u.bf16.f32 v4;
	v56 =	vor.u32 $0x7, v17;
	v63 =	vld [tilespmem:$0x1FFD0]  }
0xf9: {  	v62 =	vor.u32 $0x6, v17;
	v40 =	vunpack.i.l.bf16.f32 v2;
	v1 =	vadd.bf16 v1, v3;
	v3 =	vld [tilespmem:$0x1FE20]  }
0xfa: {  	v44 =	vld [tilespmem:s29+$0xFFFFFFA0];
	v10 =	vadd.bf16 v41, v10;
	v12 =	vmul.bf16 v42, v20;
	v7 =	vadd.f32 v7, v40  }
0xfb: {  	v19 =	vld [tilespmem:$0x1FE60];
	v0 =	vadd.bf16 v13, v0;
	v4 =	vadd.f32 v52, v4;
	v45 =	vunpack.i.l.bf16.f32 v1  }
0xfc: {  	v15 =	vld.idx.msk [tilespmem:v17+s16+$0x0], $0xffff;
	v10 =	vadd.bf16 v12, v10;
	[tilespmem:v61+s21+$0x0] =	vst.idx.msk $0xffff, v7;
	v8 =	vadd.f32 v57, v45  }
0xfd: {  	v37 =	vmul.bf16 v51, v20;
	v48 =	vor.u32 $0x5, v17;
	[tilespmem:v35+s21+$0x0] =	vst.idx.msk $0xffff, v4;
	v7 =	vld [tilespmem:s29+$0x70]  }
0xfe: {  	v50 =	vor.u32 $0x4, v17;
	v12 =	vunpack.i.l.bf16.f32 v10;
	v0 =	vadd.bf16 v3, v0;
	v3 =	vld [tilespmem:s29+$0x20];
	[tilespmem:v49+s21+$0x0] =	vst.idx.msk $0xffff, v8  }
0xff: {  	v2 =	vunpack.i.u.bf16.f32 v2;
	v5 =	vadd.s32 v63, v5;
	v51 =	vadd.f32 v44, v12;
	v52 =	vld [tilespmem:s29+$0xFFFFFFF0]  }
0x100: {  	s0 =	sadd.s32 $0x1, s31;
	v46 =	vadd.s32 v39, v23;
	v41 =	vld.idx.msk [tilespmem:v56+s16+$0x0], $0xffff;
	v57 =	vor.u32 $0x3, v17;
	v0 =	vadd.bf16 v37, v0  }
0x101: {  	v54 =	vadd.s32 v63, v24;
	v22 =	vadd.s32 v63, v23;
	v9 =	vld.idx.msk [tilespmem:v62+s16+$0x0], $0xffff;
	[tilespmem:v53+s21+$0x0] =	vst.idx.msk $0xffff, v51;
	v61 =	vmov s0  }
0x102: {  	v18 =	vld [tilespmem:s29+$0xFFFFFFB0];
	v56 =	vshll.u32 v61, $0x3;
	v2 =	vadd.f32 v7, v2;
	v47 =	vunpack.i.l.bf16.f32 v0  }
0x103: {  	s10 =	sadd.s32 $0x2, s31;
	v6 =	vld.idx.msk [tilespmem:v50+s16+$0x0], $0xffff;
	v1 =	vunpack.i.u.bf16.f32 v1;
	v38 =	vor.u32 $0x7, v56;
	v3 =	vadd.f32 v3, v47  }
0x104: {  	v62 =	vmov s10;
	v40 =	vor.u32 $0x6, v56;
	v7 =	vld.idx.msk [tilespmem:v48+s16+$0x0], $0xffff;
	[tilespmem:v5+s21+$0x0] =	vst.idx.msk $0xffff, v2;
	v1 =	vadd.f32 v52, v1  }
0x105: {  	v50 =	vshll.u32 v62, $0x3;
	v23 =	vand.u32 $0xFE, v62;
	v62 =	vor.u32 $0x2, v56;
	v2 =	vld.idx.msk [tilespmem:v57+s16+$0x0], $0xffff;
	[tilespmem:v46+s21+$0x0] =	vst.idx.msk $0xffff, v3  }
0x106: {  	v57 =	vor.u32 $0x3, v56;
	v55 =	vld [tilespmem:s29+$0x30];
	[tilespmem:v54+s21+$0x0] =	vst.idx.msk $0xffff, v1  }
0x107: {  	v3 =	vor.u32 $0x2, v17;
	v49 =	vld.idx.msk [tilespmem:v56+s16+$0x0], $0xffff  }
0x108: {  	v46 =	vor.u32 $0x5, v56;
	v35 =	vld.idx.msk [tilespmem:v38+s16+$0x0], $0xffff  }
0x109: {  	v19 =	vadd.s32 v63, v19;
	[tilespmem:$0x1FEB0] =	vst v41;
	v45 =	vand.u32 $0xFC, v31;
	v17 =	vor.u32 $0x1, v17;
	v37 =	vld.idx.msk [tilespmem:v40+s16+$0x0], $0xffff  }
0x10a: {  	v14 =	vmul.bf16 v9, v26;
	[tilespmem:$0x1FE60] =	vst v45;
	v47 =	vadd.s32 v34, v45;
	v54 =	vld.idx.msk [tilespmem:v62+s16+$0x0], $0xffff  }
0x10b: {  	v41 =	vmul.bf16 v41, v58;
	v16 =	vmul.bf16 v6, v28;
	v0 =	vunpack.i.u.bf16.f32 v0;
	[tilespmem:$0x1FE50] =	vst v47;
	v47 =	vld.idx.msk [tilespmem:v57+s16+$0x0], $0xffff  }
0x10c: {  	v42 =	vor.u32 $0x6, v50;
	v51 =	vor.u32 $0x4, v50;
	[tilespmem:$0x1FE90] =	vst v14;
	v3 =	vld.idx.msk [tilespmem:v3+s16+$0x0], $0xffff;
	v1 =	vadd.f32 v55, v0  }
0x10d: {  	v24 =	vand.u32 $0xFD, v61;
	v61 =	vmul.bf16 v15, v36;
	[tilespmem:$0x1FEA0] =	vst v16;
	v48 =	vadd.s32 v25, v45;
	v40 =	vld.idx.msk [tilespmem:v46+s16+$0x0], $0xffff  }
0x10e: {  	v10 =	vunpack.i.u.bf16.f32 v10;
	v38 =	vmul.bf16 v15, v43;
	v15 =	vor.u32 $0x2, v50;
	v0 =	vld.idx.msk [tilespmem:v17+s16+$0x0], $0xffff;
	[tilespmem:v22+s21+$0x0] =	vst.idx.msk $0xffff, v1  }
0x10f: {  	v44 =	vadd.f32 v18, v10;
	[tilespmem:$0x1FE70] =	vst v48;
	v17 =	vor.u32 $0x1, v56;
	v1 =	vadd.s32 v39, v45;
	v52 =	vld.idx.msk [tilespmem:v50+s16+$0x0], $0xffff  }
0x110: {  	p1 =	slt.u32 s31, $0xFC;
	v20 =	vmovc v36;
	v13 =	vmul.bf16 v7, v29;
	v53 =	vmul.bf16 v7, v33;
	v22 =	vld [tilespmem:$0x1FEC0];
	[tilespmem:$0x1FE40] =	vst v1;
	v1 =	vor.u32 $0x4, v56  }
.Ltmp0:
0x111: {  	v33 =	vadd.s32 v25, v24;
	v34 =	vmul.bf16 v2, v27;
	v62 =	vmul.bf16 v2, v59;
	v31 =	vld.idx.msk [tilespmem:v42+s16+$0x0], $0xffff;
	(pc) =	sbr.rel @p1 .LBB2_4-.Ltmp0, $4  }
0x112: {  	v28 =	vmov v39;
	[tilespmem:v19+s21+$0x0] =	vst.idx.msk $0xffff, v44;
	v55 =	vor.u32 $0x1, v50;
	v48 =	vmul.bf16 v49, v43;
	v36 =	vld.idx.msk [tilespmem:v51+s16+$0x0], $0xffff  }
0x113: {  	[tilespmem:$0x1FE80] =	vst v13;
	v51 =	vor.u32 $0x7, v50;
	v56 =	vmul.bf16 v6, v21;
	v45 =	vld.idx.msk [tilespmem:v15+s16+$0x0], $0xffff;
	v39 =	vmul.bf16 v3, v30  }
0x114: {  	v44 =	vmul.bf16 v0, v60;
	v60 =	vadd.s32 v28, v24;
	v57 =	vld.idx.msk [tilespmem:v17+s16+$0x0], $0xffff;
	v46 =	vmul.bf16 v52, v43  }
0x115: {  	s1 =	sadd.s32 $0x3, s31;
	s31 =	sadd.s32 $0x4, s31;
	v42 =	vld.idx.msk [tilespmem:v1+s16+$0x0], $0xffff;
	v43 =	vmul.bf16 v9, v32;
	v1 =	vmul.bf16 v3, v22;
	v32 =	vadd.s32 v25, v23  }
0x116: {  	_ =	sdelay $0x1  }
0x117: {  	v2 =	vmov s1  }
0x118: {  	v3 =	vshll.u32 v2, $0x3  }
0x119: {  	v6 =	vld.idx.msk [tilespmem:v55+s16+$0x0], $0xffff;
	v4 =	vor.u32 $0x1, v3  }
0x11a: {  	v30 =	vld [tilespmem:$0x1FF40]  }
0x11b: {  	v21 =	vld [tilespmem:$0x1FF90];
	v5 =	vor.u32 $0x2, v3  }
0x11c: {  	v9 =	vor.u32 $0x3, v50;
	v27 =	vld [tilespmem:$0x1FF80]  }
0x11d: {  	v8 =	vor.u32 $0x3, v3;
	v7 =	vld.idx.msk [tilespmem:v3+s16+$0x0], $0xffff  }
0x11e: {  	v13 =	vor.u32 $0x5, v50;
	v4 =	vld.idx.msk [tilespmem:v4+s16+$0x0], $0xffff  }
0x11f: {  	v26 =	vld [tilespmem:$0x1FF70];
	v10 =	vor.u32 $0x4, v3  }
0x120: {  	v5 =	vld.idx.msk [tilespmem:v5+s16+$0x0], $0xffff  }
0x121: {  	v11 =	vmul.bf16 v49, v20;
	v16 =	vor.u32 $0x5, v3;
	v0 =	vmul.bf16 v0, v30;
	v9 =	vld.idx.msk [tilespmem:v9+s16+$0x0], $0xffff  }
0x122: {  	v12 =	vmul.bf16 v52, v20;
	v18 =	vor.u32 $0x6, v3;
	v14 =	vmul.bf16 v57, v30;
	v8 =	vld.idx.msk [tilespmem:v8+s16+$0x0], $0xffff  }
0x123: {  	v13 =	vld.idx.msk [tilespmem:v13+s16+$0x0], $0xffff;
	v0 =	vadd.bf16 v0, v61;
	v50 =	vmul.bf16 v7, v20;
	v19 =	vmul.bf16 v4, v30  }
0x124: {  	v15 =	vmul.bf16 v54, v22;
	v2 =	vand.u32 $0xFF, v2;
	v11 =	vadd.bf16 v14, v11;
	v10 =	vld.idx.msk [tilespmem:v10+s16+$0x0], $0xffff  }
0x125: {  	v1 =	vadd.bf16 v1, v0;
	v0 =	vld.idx.msk [tilespmem:v51+s16+$0x0], $0xffff;
	v51 =	vmul.bf16 v5, v22;
	v14 =	vadd.bf16 v19, v50  }
0x126: {  	v17 =	vmul.bf16 v6, v30;
	v52 =	vmul.bf16 v47, v21;
	v3 =	vor.u32 $0x7, v3;
	v16 =	vld.idx.msk [tilespmem:v16+s16+$0x0], $0xffff  }
0x127: {  	v61 =	vld [tilespmem:$0x1FF60];
	v1 =	vadd.bf16 v62, v1;
	v55 =	vmul.bf16 v8, v21;
	v14 =	vadd.bf16 v51, v14  }
0x128: {  	v12 =	vadd.bf16 v17, v12;
	v18 =	vld.idx.msk [tilespmem:v18+s16+$0x0], $0xffff;
	v11 =	vadd.bf16 v15, v11;
	v19 =	vmul.bf16 v45, v22  }
0x129: {  	v59 =	vmul.bf16 v10, v27;
	v1 =	vadd.bf16 v56, v1;
	v56 =	vld [tilespmem:$0x1FF50];
	v14 =	vadd.bf16 v55, v14  }
0x12a: {  	v58 =	vmul.bf16 v9, v21;
	v11 =	vadd.bf16 v52, v11;
	v12 =	vadd.bf16 v19, v12  }
0x12b: {  	v3 =	vld.idx.msk [tilespmem:v3+s16+$0x0], $0xffff;
	v25 =	vmul.bf16 v16, v26;
	v19 =	vmul.bf16 v42, v27;
	v14 =	vadd.bf16 v59, v14  }
0x12c: {  	v62 =	vmul.bf16 v36, v27;
	v52 =	vmul.bf16 v13, v26;
	v12 =	vadd.bf16 v58, v12  }
0x12d: {  	v11 =	vadd.bf16 v19, v11;
	v19 =	vmul.bf16 v40, v26;
	v14 =	vadd.bf16 v25, v14;
	v25 =	vld [tilespmem:$0x1FFC0]  }
0x12e: {  	v22 =	vmul.bf16 v35, v61;
	v55 =	vmul.bf16 v18, v56;
	v12 =	vadd.bf16 v62, v12  }
0x12f: {  	s10 =	sadd.s32 $0x100, s29;
	v58 =	vmul.bf16 v37, v56;
	v11 =	vadd.bf16 v19, v11;
	v19 =	vmul.bf16 v31, v56  }
0x130: {  	v59 =	vmul.bf16 v3, v61;
	v62 =	vld [tilespmem:s10+$0x40];
	v12 =	vadd.bf16 v52, v12;
	v14 =	vadd.bf16 v55, v14  }
0x131: {  	v15 =	vmul.bf16 v0, v61;
	v50 =	vld [tilespmem:s10+$0xFFFFFFC0];
	v1 =	vadd.bf16 v53, v1;
	v11 =	vadd.bf16 v58, v11  }
0x132: {  	v12 =	vadd.bf16 v19, v12;
	v19 =	vld [tilespmem:s10+$0x0];
	v14 =	vadd.bf16 v59, v14;
	v17 =	vadd.s32 v25, v2  }
0x133: {  	v1 =	vadd.bf16 v43, v1;
	v11 =	vadd.bf16 v22, v11;
	v55 =	vadd.s32 v25, v24  }
0x134: {  	v12 =	vadd.bf16 v15, v12;
	v22 =	vadd.s32 v25, v23;
	v59 =	vunpack.i.l.bf16.f32 v14  }
0x135: {  	v15 =	vadd.f32 v62, v59;
	v62 =	vunpack.i.l.bf16.f32 v11  }
0x136: {  	v1 =	vadd.bf16 v41, v1;
	v25 =	vunpack.i.l.bf16.f32 v12;
	v41 =	vadd.f32 v50, v62  }
0x137: {  	v49 =	vadd.f32 v19, v25;
	[tilespmem:v17+s21+$0x0] =	vst.idx.msk $0xffff, v15  }
0x138: {  	[tilespmem:v55+s21+$0x0] =	vst.idx.msk $0xffff, v41  }
0x139: {  	[tilespmem:v22+s21+$0x0] =	vst.idx.msk $0xffff, v49;
	v51 =	vld [tilespmem:s10+$0xFFFFFFD0]  }
0x13a: {  	v43 =	vld [tilespmem:$0x1FFF0]  }
0x13b: {  	v52 =	vld [tilespmem:$0x1FE50]  }
0x13c: {  	v58 =	vld [tilespmem:s10+$0xFFFFFF80]  }
0x13d: {  	v19 =	vld [tilespmem:s10+$0x50]  }
0x13e: {  	v53 =	vld [tilespmem:s10+$0x10]  }
0x13f: {  	v11 =	vunpack.i.u.bf16.f32 v11;
	v22 =	vadd.s32 v43, v2  }
0x140: {  	v50 =	vunpack.i.l.bf16.f32 v1;
	v11 =	vadd.f32 v51, v11  }
0x141: {  	v14 =	vunpack.i.u.bf16.f32 v14;
	v17 =	vadd.f32 v58, v50  }
0x142: {  	v12 =	vunpack.i.u.bf16.f32 v12;
	v14 =	vadd.f32 v19, v14;
	[tilespmem:v33+s21+$0x0] =	vst.idx.msk $0xffff, v11  }
0x143: {  	v12 =	vadd.f32 v53, v12;
	[tilespmem:v52+s21+$0x0] =	vst.idx.msk $0xffff, v17  }
0x144: {  	[tilespmem:v22+s21+$0x0] =	vst.idx.msk $0xffff, v14  }
0x145: {  	v62 =	vld [tilespmem:$0x1FFA0];
	[tilespmem:v32+s21+$0x0] =	vst.idx.msk $0xffff, v12  }
0x146: {  	v12 =	vld [tilespmem:$0x1FE70]  }
0x147: {  	v29 =	vld [tilespmem:s10+$0xFFFFFF90];
	_ =	sdelay $0x3  }
0x148: {  	v1 =	vunpack.i.u.bf16.f32 v1  }
0x149: {  	v1 =	vadd.f32 v29, v1  }
0x14a: {  	v55 =	vmul.bf16 v57, v62;
	v57 =	vld [tilespmem:$0x1FFB0]  }
0x14b: {  	[tilespmem:v12+s21+$0x0] =	vst.idx.msk $0xffff, v1  }
0x14c: {  	v14 =	vld [tilespmem:$0x1FF30];
	_ =	sdelay $0x1  }
0x14d: {  	v51 =	vld [tilespmem:$0x1FF00]  }
0x14e: {  	v4 =	vmul.bf16 v4, v62;
	v7 =	vmul.bf16 v7, v57  }
0x14f: {  	v53 =	vld [tilespmem:$0x1FF10]  }
0x150: {  	v4 =	vadd.bf16 v4, v7;
	v5 =	vmul.bf16 v5, v14  }
0x151: {  	v6 =	vmul.bf16 v6, v62;
	v17 =	vadd.bf16 v55, v48;
	v55 =	vld [tilespmem:$0x1FF20]  }
0x152: {  	v32 =	vadd.bf16 v44, v38;
	v38 =	vmul.bf16 v8, v51;
	v4 =	vadd.bf16 v5, v4  }
0x153: {  	v6 =	vadd.bf16 v6, v46  }
0x154: {  	v25 =	vmul.bf16 v54, v14;
	v46 =	vmul.bf16 v10, v53;
	v4 =	vadd.bf16 v38, v4  }
0x155: {  	v52 =	vld [tilespmem:$0x1FEF0];
	v33 =	vmul.bf16 v45, v14;
	v41 =	vmul.bf16 v47, v51  }
0x156: {  	v49 =	vmul.bf16 v16, v55;
	v1 =	vadd.bf16 v25, v17;
	v4 =	vadd.bf16 v46, v4  }
0x157: {  	v44 =	vmul.bf16 v9, v51;
	v6 =	vadd.bf16 v33, v6  }
0x158: {  	v47 =	vmul.bf16 v42, v53;
	v1 =	vadd.bf16 v41, v1;
	v4 =	vadd.bf16 v49, v4;
	v49 =	vld [tilespmem:$0x1FEE0]  }
0x159: {  	v45 =	vadd.bf16 v39, v32;
	v48 =	vmul.bf16 v36, v53;
	v6 =	vadd.bf16 v44, v6  }
0x15a: {  	v50 =	vmul.bf16 v40, v55;
	v58 =	vmul.bf16 v18, v52;
	v1 =	vadd.bf16 v47, v1  }
0x15b: {  	v59 =	vmul.bf16 v37, v52;
	v12 =	vmul.bf16 v13, v55;
	v5 =	vadd.bf16 v48, v6  }
0x15c: {  	v13 =	vld [tilespmem:$0x1FEA0];
	v15 =	vmul.bf16 v31, v52;
	v9 =	vadd.bf16 v34, v45;
	v1 =	vadd.bf16 v50, v1  }
0x15d: {  	v16 =	vld [tilespmem:s10+$0x60];
	v5 =	vadd.bf16 v12, v5;
	v4 =	vadd.bf16 v58, v4;
	v3 =	vmul.bf16 v3, v49  }
0x15e: {  	v25 =	vld [tilespmem:s10+$0xFFFFFFE0];
	v33 =	vadd.s32 v28, v2;
	v1 =	vadd.bf16 v59, v1;
	v17 =	vmul.bf16 v35, v49  }
0x15f: {  	v34 =	vld [tilespmem:s10+$0x20];
	v5 =	vadd.bf16 v15, v5;
	v0 =	vmul.bf16 v0, v49;
	v3 =	vadd.bf16 v3, v4  }
0x160: {  	v1 =	vadd.bf16 v17, v1  }
0x161: {  	v32 =	vld [tilespmem:$0x1FE80];
	v39 =	vadd.s32 v28, v23;
	v0 =	vadd.bf16 v0, v5;
	v38 =	vunpack.i.l.bf16.f32 v3  }
0x162: {  	v36 =	vld [tilespmem:$0x1FEB0];
	v40 =	vunpack.i.l.bf16.f32 v1;
	v7 =	vadd.f32 v16, v38  }
0x163: {  	v35 =	vld [tilespmem:$0x1FE90];
	v41 =	vunpack.i.l.bf16.f32 v0;
	v4 =	vadd.f32 v25, v40  }
0x164: {  	v9 =	vadd.bf16 v13, v9;
	v6 =	vadd.f32 v34, v41;
	[tilespmem:v33+s21+$0x0] =	vst.idx.msk $0xffff, v7  }
0x165: {  	[tilespmem:v60+s21+$0x0] =	vst.idx.msk $0xffff, v4  }
0x166: {  	v9 =	vadd.bf16 v32, v9;
	[tilespmem:v39+s21+$0x0] =	vst.idx.msk $0xffff, v6  }
0x167: {  	v6 =	vld [tilespmem:$0x1FE40]  }
0x168: {  	v37 =	vld [tilespmem:s10+$0xFFFFFFA0];
	v8 =	vadd.bf16 v35, v9;
	v9 =	vmul.bf16 v36, v49;
	_ =	sdelay $0x1  }
0x169: {  	v8 =	vadd.bf16 v9, v8;
	_ =	sdelay $0x1  }
0x16a: {  	v42 =	vunpack.i.l.bf16.f32 v8  }
0x16b: {  	v44 =	vadd.f32 v37, v42;
	_ =	sdelay $0x1  }
0x16c: {  	v45 =	vld [tilespmem:s10+$0x70];
	[tilespmem:v6+s21+$0x0] =	vst.idx.msk $0xffff, v44  }
0x16d: {  	v58 =	vld [tilespmem:$0x1FE60]  }
0x16e: {  	v46 =	vld [tilespmem:s10+$0xFFFFFFF0]  }
0x16f: {  	v2 =	vadd.s32 v63, v2;
	v47 =	vld [tilespmem:s10+$0x30]  }
0x170: {  	v48 =	vadd.s32 v63, v24;
	v50 =	vld [tilespmem:s10+$0xFFFFFFB0]  }
0x171: {  	v54 =	vadd.s32 v63, v23;
	v3 =	vunpack.i.u.bf16.f32 v3  }
0x172: {  	v1 =	vunpack.i.u.bf16.f32 v1;
	v3 =	vadd.f32 v45, v3;
	v7 =	vadd.s32 v63, v58  }
0x173: {  	v0 =	vunpack.i.u.bf16.f32 v0;
	v1 =	vadd.f32 v46, v1  }
0x174: {  	s0 =	sshll.u32 s30, $0x14;
	v59 =	vunpack.i.u.bf16.f32 v8;
	v0 =	vadd.f32 v47, v0;
	[tilespmem:v2+s21+$0x0] =	vst.idx.msk $0xffff, v3  }
0x175: {  	s0 =	sor.u32 s4, s0;
	[tilespmem:v48+s21+$0x0] =	vst.idx.msk $0xffff, v1;
	v60 =	vadd.f32 v50, v59  }
0x176: {  	s31 =	sshrl.u32 s0, $0x3;
	[tilespmem:v54+s21+$0x0] =	vst.idx.msk $0xffff, v0  }
0x177: {  	s29 =	simm.s32 $0xF400;
	s0 =	simm.s32 $0x420;
	s1 =	sadd.s32 s7, s31;
	[tilespmem:v7+s21+$0x0] =	vst.idx.msk $0xffff, v60  }
0x178: {  	v45 =	vmovc v30;
	v46 =	vmovc v14;
	v47 =	vmov v21;
	v48 =	vmov v27;
	v54 =	vmov v26;
	[hbm4b:s1+s3] =	stream.linear.scatter [tilespmem:s29], [sflag:$0x5], $0x100, $0x38;
	[tilespmem:$0x17A00] =	vst v63  }
.LBB2_6:
0x179: {  	p1 =	sne.s32 s0, $0x103E0  }
.Ltmp1:
0x17a: {  	_ = 	snop;
	(pc) =	sbr.rel @p1 .LBB2_6-.Ltmp1, $4  }
0x17b: {  	_ = 	snop  }
0x17c: {  	s29 =	sshra.s32 s0, $0x2;
	s0 =	sadd.s32 $0x420, s0  }
0x17d: {  	s1 =	sadd.s32 $0x800, s1;
	s29 =	sadd.s32 $0xF400, s29  }
0x17e: {  	[hbm4b:s1+s3] =	stream.linear.scatter [tilespmem:s29], [sflag:$0x5], $0x100, $0x38;
	[tilespmem:$0x17A00] =	vst v63  }
0x17f: {  	s29 =	sadd.s32 $0x1, s30;
	p1 =	seq.s32 s30, $0x31  }
0x180: {  	s0 =	sshll.u32 @!p1 s29, $0x9  }
0x181: {  	s1 =	simm.s32 @!p1 $0x100;
	s30 =	simm.s32 @!p1 $0x6400;
	s0 =	sand.u32 @!p1 $0x3FFFFE00, s0  }
0x182: {  	[tilespmem:s30], [sflag:$0x1] =	stream.indirect.gather @!p1 [hbm4b:s5+s1], $0x40, s0, s1, $0xb8;
	[tilespmem:$0x17A00] =	vst v63  }
0x183: {  	s30 =	simm.s32 @!p1 $0xE400  }
0x184: {  	[tilespmem:s30], [sflag:$0x3] =	stream.indirect.gather @!p1 [hbm4b:s2+s1], $0x8, s0, s1, $0xb8;
	[tilespmem:$0x17A00] =	vst v63  }
0x185: {  	_ =	swait.ge [sflag:s22], $0x4000  }
0x186: {  	[sflag:s22] =	ssyncset.done $0x0  }
0x187: {  	s10 =	simm.s32 $0x0;
	[sflag:s22] =	ssyncadd.s32 $0xFFFFC000  }
0x188: {  	v0 =	vmov s10;
	_ =	swait.ge [sflag:s23], $0x800  }
0x189: {  	v1 =	vshll.u32 v0, $0x3;
	[sflag:s23] =	ssyncset.done $0x0  }
0x18a: {  	v2 =	vor.u32 $0x6, v1;
	s0 =	simm.s32 @!p0 $0x6;
	[sflag:s23] =	ssyncadd.s32 $0xFFFFF800  }
0x18b: {  	v3 =	vor.u32 $0x5, v1;
	_ =	swait.ge @!p0 [sflag:s0], $0x4000  }
0x18c: {  	v4 =	vor.u32 $0x3, v1;
	[sflag:s0] =	ssyncset.done @!p0 $0x0  }
0x18d: {  	v5 =	vor.u32 $0x2, v1;
	s1 =	simm.s32 $0x1;
	v44 =	vld [tilespmem:$0x1FEC0];
	[sflag:s0] =	ssyncadd.s32 @!p0 $0xFFFFC000  }
0x18e: {  	s10 =	simm.s32 $0x2;
	v8 =	vor.u32 $0x1, v1;
	v7 =	vmov s1;
	v6 =	vld.idx.msk [tilespmem:v1+s18+$0x0], $0xffff  }
0x18f: {  	v10 =	vmov s10;
	v11 =	vshll.u32 v7, $0x3;
	v2 =	vld.idx.msk [tilespmem:v2+s18+$0x0], $0xffff  }
0x190: {  	v12 =	vshll.u32 v10, $0x3;
	v3 =	vld.idx.msk [tilespmem:v3+s18+$0x0], $0xffff  }
0x191: {  	v16 =	vor.u32 $0x1, v11;
	v4 =	vld.idx.msk [tilespmem:v4+s18+$0x0], $0xffff  }
0x192: {  	v21 =	vand.u32 $0xFC, v0;
	v9 =	vor.u32 $0x7, v1;
	v17 =	vor.u32 $0x1, v12;
	v5 =	vld.idx.msk [tilespmem:v5+s18+$0x0], $0xffff  }
0x193: {  	v22 =	vadd.s32 v28, v21;
	v50 =	vadd.s32 v43, v21;
	v15 =	vor.u32 $0x6, v12;
	s1 =	simm.s32 $0x3;
	v8 =	vld.idx.msk [tilespmem:v8+s18+$0x0], $0xffff  }
0x194: {  	v29 =	vor.u32 $0x4, v12;
	v30 =	vmov s1;
	v23 =	vand.u32 $0xFD, v7;
	v19 =	vld.idx.msk [tilespmem:v11+s18+$0x0], $0xffff  }
0x195: {  	v13 =	vor.u32 $0x7, v11;
	v14 =	vor.u32 $0x6, v11;
	v0 =	vor.u32 $0x5, v11;
	v31 =	vld.idx.msk [tilespmem:v12+s18+$0x0], $0xffff  }
0x196: {  	v18 =	vor.u32 $0x4, v11;
	v16 =	vld.idx.msk [tilespmem:v16+s18+$0x0], $0xffff;
	v24 =	vmul.bf16 v6, v20;
	v6 =	vmul.bf16 v6, v57  }
0x197: {  	v32 =	vor.u32 $0x3, v11;
	v17 =	vld.idx.msk [tilespmem:v17+s18+$0x0], $0xffff;
	v26 =	vmul.bf16 v3, v55;
	v25 =	vmul.bf16 v2, v52  }
0x198: {  	v33 =	vshll.u32 v30, $0x3;
	v35 =	vmul.bf16 v4, v51;
	v37 =	vmul.bf16 v8, v62  }
0x199: {  	v34 =	vor.u32 $0x1, v33;
	v38 =	vmul.bf16 v5, v46;
	v7 =	vmul.bf16 v19, v57  }
0x19a: {  	v39 =	vor.u32 $0x2, v33;
	v58 =	vld [tilespmem:$0x1FFC0];
	v8 =	vmul.bf16 v8, v45;
	v60 =	vmul.bf16 v31, v57  }
0x19b: {  	v11 =	vor.u32 $0x2, v11;
	v5 =	vmul.bf16 v5, v44;
	v19 =	vmul.bf16 v19, v20  }
0x19c: {  	v36 =	vor.u32 $0x2, v12;
	v41 =	vmul.bf16 v16, v62;
	v42 =	vmul.bf16 v17, v62  }
0x19d: {  	v30 =	vand.u32 $0xFF, v30;
	v40 =	vld.idx.msk [tilespmem:v33+s18+$0x0], $0xffff;
	v31 =	vmul.bf16 v31, v20;
	v16 =	vmul.bf16 v16, v45  }
0x19e: {  	v1 =	vor.u32 $0x4, v1;
	v34 =	vld.idx.msk [tilespmem:v34+s18+$0x0], $0xffff;
	v17 =	vmul.bf16 v17, v45;
	v4 =	vmul.bf16 v4, v47  }
0x19f: {  	v39 =	vld.idx.msk [tilespmem:v39+s18+$0x0], $0xffff;
	v59 =	vadd.s32 v58, v21;
	v2 =	vmul.bf16 v2, v56;
	v3 =	vmul.bf16 v3, v54  }
0x1a0: {  	v11 =	vld.idx.msk [tilespmem:v11+s18+$0x0], $0xffff;
	v8 =	vadd.bf16 v8, v24;
	v6 =	vadd.bf16 v37, v6;
	v37 =	vor.u32 $0x3, v33  }
0x1a1: {  	v24 =	vand.u32 $0xFE, v10;
	v10 =	vld.idx.msk [tilespmem:v36+s18+$0x0], $0xffff;
	v7 =	vadd.bf16 v41, v7;
	v36 =	vor.u32 $0x3, v12  }
0x1a2: {  	v27 =	vld.idx.msk [tilespmem:v9+s18+$0x0], $0xffff;
	v9 =	vadd.bf16 v42, v60;
	v41 =	vor.u32 $0x4, v33;
	v16 =	vadd.bf16 v16, v19  }
0x1a3: {  	v19 =	vmul.bf16 v40, v20;
	v60 =	vmul.bf16 v34, v45;
	v17 =	vadd.bf16 v17, v31  }
0x1a4: {  	v45 =	vmul.bf16 v39, v44;
	v34 =	vmul.bf16 v34, v62;
	v6 =	vadd.bf16 v38, v6  }
0x1a5: {  	v1 =	vld.idx.msk [tilespmem:v1+s18+$0x0], $0xffff;
	v39 =	vmul.bf16 v39, v46;
	v5 =	vadd.bf16 v5, v8;
	v19 =	vadd.bf16 v60, v19  }
0x1a6: {  	v8 =	vld.idx.msk [tilespmem:v32+s18+$0x0], $0xffff;
	v38 =	vor.u32 $0x5, v12;
	v12 =	vor.u32 $0x7, v12;
	v31 =	vmul.bf16 v11, v46  }
0x1a7: {  	v14 =	vld.idx.msk [tilespmem:v14+s18+$0x0], $0xffff;
	v11 =	vmul.bf16 v11, v44;
	v19 =	vadd.bf16 v45, v19;
	v4 =	vadd.bf16 v4, v5  }
0x1a8: {  	v18 =	vld.idx.msk [tilespmem:v18+s18+$0x0], $0xffff;
	v6 =	vadd.bf16 v35, v6;
	v42 =	vmul.bf16 v10, v46;
	v10 =	vmul.bf16 v10, v44  }
0x1a9: {  	v37 =	vld.idx.msk [tilespmem:v37+s18+$0x0], $0xffff;
	v7 =	vadd.bf16 v31, v7;
	v31 =	vor.u32 $0x5, v33;
	v11 =	vadd.bf16 v11, v16  }
0x1aa: {  	v36 =	vld.idx.msk [tilespmem:v36+s18+$0x0], $0xffff;
	v16 =	vor.u32 $0x6, v33;
	v10 =	vadd.bf16 v10, v17;
	v17 =	vmul.bf16 v1, v53  }
0x1ab: {  	v29 =	vld.idx.msk [tilespmem:v29+s18+$0x0], $0xffff;
	v9 =	vadd.bf16 v42, v9;
	v42 =	vmul.bf16 v8, v47;
	v1 =	vmul.bf16 v1, v48  }
0x1ac: {  	v35 =	vadd.s32 v58, v30;
	v41 =	vld.idx.msk [tilespmem:v41+s18+$0x0], $0xffff;
	v33 =	vor.u32 $0x7, v33;
	v8 =	vmul.bf16 v8, v51  }
0x1ad: {  	v38 =	vld.idx.msk [tilespmem:v38+s18+$0x0], $0xffff;
	v5 =	vadd.bf16 v42, v11;
	v42 =	vmul.bf16 v18, v48;
	v1 =	vadd.bf16 v1, v4  }
0x1ae: {  	v7 =	vadd.bf16 v8, v7;
	v18 =	vmul.bf16 v18, v53;
	v60 =	vmul.bf16 v37, v47;
	v31 =	vld.idx.msk [tilespmem:v31+s18+$0x0], $0xffff  }
0x1af: {  	v0 =	vld.idx.msk [tilespmem:v0+s18+$0x0], $0xffff;
	v6 =	vadd.bf16 v17, v6;
	v45 =	vmul.bf16 v36, v47;
	v36 =	vmul.bf16 v36, v51  }
0x1b0: {  	v16 =	vld.idx.msk [tilespmem:v16+s18+$0x0], $0xffff;
	v37 =	vmul.bf16 v37, v51;
	v5 =	vadd.bf16 v42, v5;
	v1 =	vadd.bf16 v3, v1  }
0x1b1: {  	v15 =	vld.idx.msk [tilespmem:v15+s18+$0x0], $0xffff;
	v7 =	vadd.bf16 v18, v7;
	v19 =	vadd.bf16 v60, v19;
	v60 =	vmul.bf16 v41, v48  }
0x1b2: {  	v33 =	vld.idx.msk [tilespmem:v33+s18+$0x0], $0xffff;
	v6 =	vadd.bf16 v26, v6;
	v10 =	vadd.bf16 v45, v10;
	v45 =	vmul.bf16 v29, v48  }
0x1b3: {  	v3 =	vmul.bf16 v38, v54;
	v11 =	vadd.bf16 v60, v19;
	v60 =	vmul.bf16 v31, v54  }
0x1b4: {  	v13 =	vld.idx.msk [tilespmem:v13+s18+$0x0], $0xffff;
	v29 =	vmul.bf16 v29, v53;
	v1 =	vadd.bf16 v2, v1;
	v19 =	vmul.bf16 v0, v54  }
0x1b5: {  	v4 =	vadd.bf16 v45, v10;
	v42 =	vmul.bf16 v16, v56;
	v11 =	vadd.bf16 v60, v11  }
0x1b6: {  	s30 =	simm.s32 $0xA480;
	v12 =	vld.idx.msk [tilespmem:v12+s18+$0x0], $0xffff;
	v10 =	vmul.bf16 v27, v61;
	v45 =	vmul.bf16 v15, v56;
	v5 =	vadd.bf16 v19, v5  }
0x1b7: {  	v32 =	vld [tilespmem:s30+$0x40];
	v19 =	vmul.bf16 v14, v56;
	v60 =	vmul.bf16 v33, v61;
	v2 =	vadd.bf16 v42, v11  }
0x1b8: {  	v15 =	vmul.bf16 v15, v52;
	v0 =	vmul.bf16 v0, v55;
	v3 =	vadd.bf16 v3, v4;
	v4 =	vld [tilespmem:s30+$0xFFFFFF80]  }
0x1b9: {  	v5 =	vadd.bf16 v19, v5;
	v19 =	vmul.bf16 v13, v61;
	v2 =	vadd.bf16 v60, v2  }
0x1ba: {  	v18 =	vmul.bf16 v31, v55;
	v1 =	vadd.bf16 v10, v1;
	v3 =	vadd.bf16 v45, v3  }
0x1bb: {  	v10 =	vld [tilespmem:s30+$0xFFFFFFC0];
	v42 =	vmul.bf16 v12, v61;
	v5 =	vadd.bf16 v19, v5;
	v45 =	vunpack.i.l.bf16.f32 v2  }
0x1bc: {  	v19 =	vmul.bf16 v40, v57;
	v40 =	vld [tilespmem:s30+$0x0];
	v60 =	vunpack.i.l.bf16.f32 v1;
	v11 =	vadd.f32 v32, v45  }
0x1bd: {  	v16 =	vmul.bf16 v16, v52;
	v4 =	vadd.f32 v4, v60;
	v60 =	vadd.s32 v58, v23  }
0x1be: {  	v3 =	vadd.bf16 v42, v3;
	[tilespmem:v35+s24+$0x0] =	vst.idx.msk $0xffff, v11;
	v35 =	vadd.s32 v58, v24  }
0x1bf: {  	v14 =	vmul.bf16 v14, v52;
	v19 =	vadd.bf16 v34, v19;
	v45 =	vunpack.i.l.bf16.f32 v5  }
0x1c0: {  	v0 =	vadd.bf16 v0, v7;
	v10 =	vadd.f32 v10, v45;
	v45 =	vunpack.i.l.bf16.f32 v3  }
0x1c1: {  	v13 =	vmul.bf16 v13, v49;
	v19 =	vadd.bf16 v39, v19;
	v11 =	vadd.f32 v40, v45;
	v39 =	vld [tilespmem:s30+$0x50]  }
0x1c2: {  	v42 =	vadd.s32 v43, v30;
	[tilespmem:v60+s24+$0x0] =	vst.idx.msk $0xffff, v10;
	v60 =	vadd.bf16 v36, v9  }
0x1c3: {  	v19 =	vadd.bf16 v37, v19;
	v45 =	vmul.bf16 v41, v53;
	v9 =	vld [tilespmem:s30+$0xFFFFFFD0];
	[tilespmem:v35+s24+$0x0] =	vst.idx.msk $0xffff, v11  }
0x1c4: {  	v0 =	vadd.bf16 v14, v0;
	[tilespmem:v59+s24+$0x0] =	vst.idx.msk $0xffff, v4;
	v8 =	vadd.bf16 v29, v60;
	v60 =	vld [tilespmem:s30+$0x10]  }
0x1c5: {  	v34 =	vadd.s32 v43, v23;
	v2 =	vunpack.i.u.bf16.f32 v2;
	v35 =	vadd.bf16 v45, v19;
	v19 =	vld [tilespmem:s30+$0xFFFFFF90]  }
0x1c6: {  	v0 =	vadd.bf16 v13, v0;
	v40 =	vadd.s32 v43, v24;
	v2 =	vadd.f32 v39, v2  }
0x1c7: {  	v1 =	vunpack.i.u.bf16.f32 v1;
	v5 =	vunpack.i.u.bf16.f32 v5;
	v11 =	vadd.bf16 v18, v35  }
0x1c8: {  	v36 =	vmul.bf16 v38, v55;
	v5 =	vadd.f32 v9, v5;
	[tilespmem:v42+s24+$0x0] =	vst.idx.msk $0xffff, v2;
	v2 =	vunpack.i.u.bf16.f32 v3  }
0x1c9: {  	s10 =	simm.s32 $0x4;
	v38 =	vmul.bf16 v33, v49;
	v3 =	vadd.bf16 v16, v11;
	v2 =	vadd.f32 v60, v2  }
0x1ca: {  	v17 =	vmov s10;
	v7 =	vadd.bf16 v36, v8;
	v39 =	vld [tilespmem:s30+$0x60];
	[tilespmem:v34+s24+$0x0] =	vst.idx.msk $0xffff, v5;
	v1 =	vadd.f32 v19, v1  }
0x1cb: {  	v37 =	vshll.u32 v17, $0x3;
	v42 =	vadd.s32 v28, v30;
	v41 =	vld [tilespmem:s30+$0xFFFFFFE0];
	v3 =	vadd.bf16 v38, v3;
	[tilespmem:v40+s24+$0x0] =	vst.idx.msk $0xffff, v2  }
0x1cc: {  	v45 =	vor.u32 $0x6, v37;
	[tilespmem:v50+s24+$0x0] =	vst.idx.msk $0xffff, v1;
	v1 =	vadd.bf16 v15, v7;
	v2 =	vmul.bf16 v12, v49;
	v50 =	vld [tilespmem:s30+$0x20]  }
0x1cd: {  	v6 =	vadd.bf16 v25, v6;
	v32 =	vadd.s32 v28, v23;
	v33 =	vunpack.i.l.bf16.f32 v0  }
0x1ce: {  	v59 =	vunpack.i.l.bf16.f32 v3;
	v1 =	vadd.bf16 v2, v1;
	v2 =	vadd.s32 v28, v24  }
0x1cf: {  	v18 =	vor.u32 $0x7, v37;
	v60 =	vmul.bf16 v27, v49;
	v16 =	vld [tilespmem:s30+$0xFFFFFFA0];
	v9 =	vadd.f32 v39, v59  }
0x1d0: {  	v13 =	vld.idx.msk [tilespmem:v37+s18+$0x0], $0xffff;
	v35 =	vor.u32 $0x5, v37;
	v4 =	vadd.f32 v41, v33;
	v34 =	vunpack.i.l.bf16.f32 v1  }
0x1d1: {  	v8 =	vld.idx.msk [tilespmem:v45+s18+$0x0], $0xffff;
	v6 =	vadd.bf16 v60, v6;
	[tilespmem:v42+s24+$0x0] =	vst.idx.msk $0xffff, v9;
	v36 =	vadd.f32 v50, v34  }
0x1d2: {  	s1 =	simm.s32 $0x5;
	v9 =	vld [tilespmem:s30+$0x70];
	[tilespmem:v32+s24+$0x0] =	vst.idx.msk $0xffff, v4  }
0x1d3: {  	v38 =	vor.u32 $0x4, v37;
	v60 =	vmov s1;
	v11 =	vunpack.i.l.bf16.f32 v6;
	v40 =	vld [tilespmem:s30+$0xFFFFFFF0];
	[tilespmem:v2+s24+$0x0] =	vst.idx.msk $0xffff, v36  }
0x1d4: {  	v26 =	vshll.u32 v60, $0x3;
	v39 =	vadd.f32 v16, v11;
	v2 =	vadd.s32 v63, v30;
	v45 =	vld [tilespmem:s30+$0x30]  }
0x1d5: {  	v0 =	vunpack.i.u.bf16.f32 v0;
	v19 =	vadd.s32 v63, v23;
	v25 =	vld.idx.msk [tilespmem:v18+s18+$0x0], $0xffff;
	v41 =	vor.u32 $0x3, v37  }
0x1d6: {  	s10 =	simm.s32 $0x6;
	v10 =	vld.idx.msk [tilespmem:v35+s18+$0x0], $0xffff;
	v3 =	vunpack.i.u.bf16.f32 v3;
	v42 =	vor.u32 $0x2, v37;
	[tilespmem:v22+s24+$0x0] =	vst.idx.msk $0xffff, v39;
	v22 =	vadd.s32 v63, v24  }
0x1d7: {  	v59 =	vmov s10;
	v37 =	vor.u32 $0x1, v37;
	v18 =	vld [tilespmem:s30+$0xFFFFFFB0];
	v3 =	vadd.f32 v9, v3  }
0x1d8: {  	v5 =	vld.idx.msk [tilespmem:v38+s18+$0x0], $0xffff;
	v50 =	vshll.u32 v59, $0x3;
	v11 =	vadd.f32 v40, v0;
	v0 =	vunpack.i.u.bf16.f32 v1  }
0x1d9: {  	v49 =	vld.idx.msk [tilespmem:v26+s18+$0x0], $0xffff;
	[tilespmem:v2+s24+$0x0] =	vst.idx.msk $0xffff, v3;
	v3 =	vadd.f32 v45, v0  }
0x1da: {  	v23 =	vadd.s32 v63, v21;
	v9 =	vld.idx.msk [tilespmem:v41+s18+$0x0], $0xffff;
	v41 =	vand.u32 $0xFC, v17;
	[tilespmem:v19+s24+$0x0] =	vst.idx.msk $0xffff, v11  }
0x1db: {  	v38 =	vor.u32 $0x7, v26;
	v1 =	vld.idx.msk [tilespmem:v42+s18+$0x0], $0xffff;
	v2 =	vunpack.i.u.bf16.f32 v6;
	[tilespmem:v22+s24+$0x0] =	vst.idx.msk $0xffff, v3;
	v3 =	vadd.s32 v28, v41  }
0x1dc: {  	v39 =	vor.u32 $0x6, v26;
	v0 =	vld.idx.msk [tilespmem:v37+s18+$0x0], $0xffff;
	v2 =	vadd.f32 v18, v2;
	v18 =	vadd.s32 v58, v41;
	[tilespmem:$0x1FD60] =	vst v3  }
0x1dd: {  	v40 =	vor.u32 $0x6, v50;
	v45 =	vmov v52;
	v52 =	vld.idx.msk [tilespmem:v50+s18+$0x0], $0xffff;
	[tilespmem:$0x1FD70] =	vst v18  }
0x1de: {  	v11 =	vadd.s32 v43, v41;
	[tilespmem:$0x1FD80] =	vst v41  }
0x1df: {  	v42 =	vor.u32 $0x5, v26;
	[tilespmem:$0x1FD90] =	vst v11  }
0x1e0: {  	v12 =	vmovc v61;
	v61 =	vmul.bf16 v13, v20;
	v58 =	vmul.bf16 v10, v55;
	v3 =	vor.u32 $0x4, v26;
	v35 =	vld.idx.msk [tilespmem:v38+s18+$0x0], $0xffff  }
0x1e1: {  	v4 =	vor.u32 $0x2, v26;
	v30 =	vand.u32 $0xFE, v59;
	v59 =	vmul.bf16 v8, v45;
	[tilespmem:v23+s24+$0x0] =	vst.idx.msk $0xffff, v2;
	v37 =	vld.idx.msk [tilespmem:v39+s18+$0x0], $0xffff  }
0x1e2: {  	v2 =	vor.u32 $0x3, v26;
	v38 =	vmul.bf16 v13, v57;
	v31 =	vld.idx.msk [tilespmem:v40+s18+$0x0], $0xffff;
	v13 =	vmul.bf16 v5, v53;
	[tilespmem:$0x1FDA0] =	vst v58  }
0x1e3: {  	v11 =	vor.u32 $0x4, v50;
	[tilespmem:$0x1FDB0] =	vst v59  }
0x1e4: {  	v14 =	vmovc v54;
	v15 =	vmov v48;
	v63 =	vand.u32 $0xFD, v60;
	v60 =	vor.u32 $0x2, v50;
	v40 =	vld.idx.msk [tilespmem:v42+s18+$0x0], $0xffff;
	[tilespmem:$0x1FDC0] =	vst v13  }
0x1e5: {  	v16 =	vmovc v43;
	v17 =	vor.u32 $0x1, v26;
	v48 =	vmul.bf16 v49, v57;
	v43 =	vmul.bf16 v8, v56;
	v42 =	vld.idx.msk [tilespmem:v3+s18+$0x0], $0xffff  }
0x1e6: {  	v33 =	vadd.s32 v28, v63;
	v56 =	vmul.bf16 v5, v15;
	v34 =	vmul.bf16 v9, v51;
	v54 =	vld.idx.msk [tilespmem:v4+s18+$0x0], $0xffff  }
0x1e7: {  	v55 =	vor.u32 $0x1, v50;
	v18 =	vmovc v47;
	v41 =	vmul.bf16 v25, v12;
	v47 =	vld.idx.msk [tilespmem:v2+s18+$0x0], $0xffff;
	v2 =	vadd.s32 v16, v63  }
0x1e8: {  	v22 =	vmov v44;
	v44 =	vmul.bf16 v0, v62;
	v39 =	vmul.bf16 v1, v46;
	v36 =	vld.idx.msk [tilespmem:v11+s18+$0x0], $0xffff;
	[tilespmem:$0x1FDD0] =	vst v2  }
0x1e9: {  	v24 =	vmovc v25;
	v51 =	vor.u32 $0x7, v50;
	v53 =	vmul.bf16 v10, v14;
	v1 =	vmul.bf16 v1, v22;
	v45 =	vld.idx.msk [tilespmem:v60+s18+$0x0], $0xffff  }
0x1ea: {  	s0 =	simm.s32 $0x7;
	s1 =	simm.s32 $0x8;
	v62 =	vmul.bf16 v9, v18;
	v59 =	vadd.s32 v16, v30;
	v46 =	vmul.bf16 v52, v57;
	v57 =	vld.idx.msk [tilespmem:v17+s18+$0x0], $0xffff  }
.LBB2_8:
0x1eb: {  	v25 =	vld [tilespmem:$0x1FF40]  }
0x1ec: {  	v4 =	vld.idx.msk [tilespmem:v55+s18+$0x0], $0xffff  }
0x1ed: {  	v26 =	vld [tilespmem:$0x1FEF0]  }
0x1ee: {  	v23 =	vld [tilespmem:$0x1FF10]  }
0x1ef: {  	v58 =	vld [tilespmem:$0x1FF20]  }
0x1f0: {  	v21 =	vld [tilespmem:$0x1FF00]  }
0x1f1: {  	[tilespmem:$0x1FD50] =	vst v33;
	v33 =	vld [tilespmem:$0x1FF30]  }
0x1f2: {  	[tilespmem:$0x1FD40] =	vst v24;
	v5 =	vmov s0;
	v24 =	vld [tilespmem:$0x1FFA0]  }
0x1f3: {  	v12 =	vld [tilespmem:$0x1FFC0];
	v7 =	vshll.u32 v5, $0x3  }
0x1f4: {  	v27 =	vld [tilespmem:$0x1FF60];
	v8 =	vor.u32 $0x1, v7  }
0x1f5: {  	v28 =	vld [tilespmem:$0x1FF70]  }
0x1f6: {  	[tilespmem:$0x1FD10] =	vst v59;
	v3 =	vmul.bf16 v49, v20;
	v59 =	vld [tilespmem:$0x1FF50];
	v2 =	vmul.bf16 v0, v25  }
0x1f7: {  	v10 =	vor.u32 $0x2, v7;
	v0 =	vmovc v20;
	v20 =	vld [tilespmem:$0x1FEE0];
	v11 =	vmul.bf16 v54, v33;
	v13 =	vmul.bf16 v57, v24  }
0x1f8: {  	v57 =	vmul.bf16 v57, v25;
	v54 =	vmul.bf16 v54, v22;
	v22 =	vor.u32 $0x5, v7;
	v15 =	vld.idx.msk [tilespmem:v7+s18+$0x0], $0xffff  }
0x1f9: {  	v18 =	vor.u32 $0x3, v50;
	v38 =	vadd.bf16 v44, v38;
	v8 =	vld.idx.msk [tilespmem:v8+s18+$0x0], $0xffff  }
0x1fa: {  	v50 =	vor.u32 $0x5, v50;
	v2 =	vadd.bf16 v2, v61;
	v3 =	vadd.bf16 v57, v3;
	v57 =	vld [tilespmem:$0x1FED0]  }
0x1fb: {  	v32 =	vld [tilespmem:$0x1FF90];
	v16 =	vor.u32 $0x3, v7;
	v44 =	vor.u32 $0x6, v7;
	v55 =	vmul.bf16 v40, v58  }
0x1fc: {  	v14 =	vmul.bf16 v4, v24;
	v17 =	vmul.bf16 v35, v27;
	v10 =	vld.idx.msk [tilespmem:v10+s18+$0x0], $0xffff;
	v1 =	vadd.bf16 v1, v2  }
0x1fd: {  	v6 =	vmul.bf16 v35, v20;
	v35 =	vmul.bf16 v40, v28;
	v40 =	vor.u32 $0x4, v7;
	v2 =	vld.idx.msk [tilespmem:v22+s18+$0x0], $0xffff  }
0x1fe: {  	v38 =	vadd.bf16 v39, v38;
	v9 =	vmul.bf16 v47, v21;
	v13 =	vadd.bf16 v13, v48;
	v22 =	vld [tilespmem:$0x1FEC0]  }
0x1ff: {  	v49 =	vmovc v30;
	v29 =	vld [tilespmem:$0x1FF80];
	v14 =	vadd.bf16 v14, v46;
	v46 =	vmul.bf16 v15, v57;
	v61 =	vmul.bf16 v8, v25  }
0x200: {  	v30 =	vadd.s32 v12, v30;
	v12 =	vmul.bf16 v45, v33;
	v4 =	vmul.bf16 v4, v25;
	v16 =	vld.idx.msk [tilespmem:v16+s18+$0x0], $0xffff  }
0x201: {  	v11 =	vadd.bf16 v11, v13;
	[tilespmem:$0x1FD20] =	vst v6;
	v6 =	vmul.bf16 v52, v0;
	v57 =	vadd.bf16 v61, v46;
	v61 =	vld [tilespmem:$0x1FEC0]  }
0x202: {  	v47 =	vmul.bf16 v47, v32;
	v12 =	vadd.bf16 v12, v14;
	v3 =	vadd.bf16 v54, v3;
	v40 =	vld.idx.msk [tilespmem:v40+s18+$0x0], $0xffff  }
0x203: {  	v18 =	vld.idx.msk [tilespmem:v18+s18+$0x0], $0xffff;
	v4 =	vadd.bf16 v4, v6;
	v6 =	vor.u32 $0x7, v7;
	v22 =	vmul.bf16 v10, v22  }
0x204: {  	v1 =	vadd.bf16 v62, v1;
	v3 =	vadd.bf16 v47, v3;
	v0 =	vmul.bf16 v37, v26  }
0x205: {  	v52 =	vmul.bf16 v42, v23;
	v7 =	vadd.bf16 v22, v57;
	v22 =	vmul.bf16 v16, v32  }
0x206: {  	v14 =	vld.idx.msk [tilespmem:v44+s18+$0x0], $0xffff;
	v9 =	vadd.bf16 v9, v11;
	v37 =	vmul.bf16 v37, v59;
	v39 =	vmul.bf16 v45, v61  }
0x207: {  	v13 =	vld.idx.msk [tilespmem:v50+s18+$0x0], $0xffff;
	v42 =	vmul.bf16 v42, v29;
	v7 =	vadd.bf16 v22, v7;
	v22 =	vmul.bf16 v40, v29  }
0x208: {  	v1 =	vadd.bf16 v56, v1;
	v45 =	vmul.bf16 v18, v32;
	v6 =	vld.idx.msk [tilespmem:v6+s18+$0x0], $0xffff;
	v4 =	vadd.bf16 v39, v4  }
0x209: {  	[tilespmem:$0x1FD00] =	vst v0;
	v0 =	vmul.bf16 v31, v26;
	v7 =	vadd.bf16 v22, v7;
	v22 =	vmul.bf16 v2, v28  }
0x20a: {  	v51 =	vld.idx.msk [tilespmem:v51+s18+$0x0], $0xffff;
	s30 =	sadd.s32 $0x100, s30;
	v46 =	vmul.bf16 v36, v29;
	v3 =	vadd.bf16 v42, v3;
	v4 =	vadd.bf16 v45, v4  }
0x20b: {  	v50 =	vld [tilespmem:s30+$0xFFFFFF80];
	v9 =	vadd.bf16 v52, v9;
	v7 =	vadd.bf16 v22, v7;
	v22 =	vmul.bf16 v14, v59  }
0x20c: {  	v47 =	vmul.bf16 v13, v28;
	v52 =	vld [tilespmem:$0x1FD70];
	v1 =	vadd.bf16 v53, v1;
	v4 =	vadd.bf16 v46, v4  }
0x20d: {  	[tilespmem:$0x1FD30] =	vst v0;
	v0 =	vld [tilespmem:$0x1FFC0];
	v3 =	vadd.bf16 v35, v3;
	v7 =	vadd.bf16 v22, v7;
	v22 =	vmul.bf16 v6, v27  }
0x20e: {  	v31 =	vmul.bf16 v31, v59;
	v1 =	vadd.bf16 v43, v1;
	v43 =	vld [tilespmem:$0x1FFB0];
	v4 =	vadd.bf16 v47, v4  }
0x20f: {  	v7 =	vadd.bf16 v22, v7;
	v22 =	vld [tilespmem:$0x1FFC0]  }
0x210: {  	v3 =	vadd.bf16 v37, v3;
	v4 =	vadd.bf16 v31, v4;
	v31 =	vld [tilespmem:s30+$0xFFFFFFC0]  }
0x211: {  	v60 =	vmul.bf16 v36, v23;
	v19 =	vmul.bf16 v51, v27;
	v34 =	vadd.bf16 v34, v38;
	v38 =	vld [tilespmem:$0x1FD10]  }
0x212: {  	v48 =	vld [tilespmem:s30+$0x40];
	v1 =	vadd.bf16 v41, v1;
	v3 =	vadd.bf16 v17, v3;
	v0 =	vadd.s32 v0, v63  }
0x213: {  	v5 =	vand.u32 $0xFF, v5;
	v8 =	vmul.bf16 v8, v24;
	v25 =	vld [tilespmem:$0x1FFF0];
	v10 =	vmul.bf16 v10, v33  }
0x214: {  	v36 =	vld [tilespmem:$0x1FFE0];
	v54 =	vunpack.i.l.bf16.f32 v1;
	v56 =	vunpack.i.l.bf16.f32 v3;
	v22 =	vadd.s32 v22, v5  }
0x215: {  	v61 =	vld [tilespmem:$0x1FDD0];
	v15 =	vmul.bf16 v15, v43;
	v57 =	vadd.f32 v50, v54;
	v41 =	vadd.f32 v31, v56  }
0x216: {  	v50 =	vmul.bf16 v40, v23;
	v40 =	vld [tilespmem:$0x1FD90];
	v4 =	vadd.bf16 v19, v4;
	v19 =	vunpack.i.l.bf16.f32 v7  }
0x217: {  	v8 =	vadd.bf16 v8, v15;
	v46 =	vld [tilespmem:$0x1FDC0];
	v19 =	vadd.f32 v48, v19;
	[tilespmem:v0+s24+$0x0] =	vst.idx.msk $0xffff, v41  }
0x218: {  	[tilespmem:v52+s24+$0x0] =	vst.idx.msk $0xffff, v57;
	v47 =	vld [tilespmem:s30+$0xFFFFFFD0]  }
0x219: {  	v45 =	vmul.bf16 v16, v21;
	v54 =	vld [tilespmem:s30+$0xFFFFFF90];
	v8 =	vadd.bf16 v10, v8;
	[tilespmem:v22+s24+$0x0] =	vst.idx.msk $0xffff, v19  }
0x21a: {  	v44 =	vld [tilespmem:s30+$0x50]  }
0x21b: {  	v53 =	vld [tilespmem:s30+$0x0];
	v1 =	vunpack.i.u.bf16.f32 v1;
	v8 =	vadd.bf16 v45, v8  }
0x21c: {  	v37 =	vld [tilespmem:$0x1FDA0];
	v39 =	vmul.bf16 v51, v20;
	v3 =	vunpack.i.u.bf16.f32 v3;
	v48 =	vadd.s32 v25, v5  }
0x21d: {  	v51 =	vld [tilespmem:$0x1FD50];
	v2 =	vmul.bf16 v2, v58;
	v8 =	vadd.bf16 v50, v8;
	v3 =	vadd.f32 v47, v3  }
0x21e: {  	v16 =	vadd.bf16 v46, v34;
	v34 =	vld [tilespmem:$0x1FED0];
	v1 =	vadd.f32 v54, v1;
	v7 =	vunpack.i.u.bf16.f32 v7  }
0x21f: {  	v2 =	vadd.bf16 v2, v8;
	v42 =	vunpack.i.l.bf16.f32 v4;
	v7 =	vadd.f32 v44, v7;
	[tilespmem:v61+s24+$0x0] =	vst.idx.msk $0xffff, v3;
	v3 =	vld [tilespmem:$0x1FD00]  }
0x220: {  	[tilespmem:v40+s24+$0x0] =	vst.idx.msk $0xffff, v1;
	v1 =	vld [tilespmem:$0x1FD20];
	v11 =	vadd.f32 v53, v42;
	v56 =	vmul.bf16 v14, v26  }
0x221: {  	v9 =	vadd.bf16 v55, v9;
	v45 =	vld [tilespmem:s30+$0xFFFFFFA0];
	[tilespmem:v48+s24+$0x0] =	vst.idx.msk $0xffff, v7  }
0x222: {  	v6 =	vmul.bf16 v6, v20;
	[tilespmem:v30+s24+$0x0] =	vst.idx.msk $0xffff, v11;
	v2 =	vadd.bf16 v56, v2;
	v7 =	vld [tilespmem:s30+$0x60]  }
0x223: {  	v18 =	vmul.bf16 v18, v21;
	v53 =	vld [tilespmem:s30+$0x10]  }
0x224: {  	v62 =	vadd.s32 v36, v5;
	v42 =	vld [tilespmem:$0x1FDB0];
	v2 =	vadd.bf16 v6, v2;
	v3 =	vadd.bf16 v3, v9  }
0x225: {  	v13 =	vmul.bf16 v13, v58;
	v0 =	vadd.bf16 v18, v12;
	v44 =	vld [tilespmem:$0x1FD40]  }
0x226: {  	v4 =	vunpack.i.u.bf16.f32 v4;
	v41 =	vunpack.i.l.bf16.f32 v2;
	v1 =	vadd.bf16 v1, v3;
	v3 =	vld [tilespmem:$0x1FD30]  }
0x227: {  	v31 =	vmov s1;
	v0 =	vadd.bf16 v60, v0;
	v8 =	vld [tilespmem:s30+$0xFFFFFFE0];
	v7 =	vadd.f32 v7, v41  }
0x228: {  	v10 =	vadd.bf16 v37, v16;
	v18 =	vshll.u32 v31, $0x3;
	v30 =	vld [tilespmem:$0x1FFC0];
	v4 =	vadd.f32 v53, v4  }
0x229: {  	v0 =	vadd.bf16 v13, v0;
	[tilespmem:v62+s24+$0x0] =	vst.idx.msk $0xffff, v7;
	v62 =	vld [tilespmem:$0x1FD60]  }
0x22a: {  	v60 =	vld [tilespmem:$0x1FFD0];
	v10 =	vadd.bf16 v42, v10;
	[tilespmem:v38+s24+$0x0] =	vst.idx.msk $0xffff, v4;
	v12 =	vmul.bf16 v44, v20  }
0x22b: {  	v35 =	vor.u32 $0x6, v18;
	v46 =	vunpack.i.l.bf16.f32 v1;
	v0 =	vadd.bf16 v3, v0;
	v3 =	vld [tilespmem:s30+$0x20]  }
0x22c: {  	v57 =	vor.u32 $0x7, v18;
	v19 =	vld [tilespmem:$0x1FD80];
	v10 =	vadd.bf16 v12, v10;
	v8 =	vadd.f32 v8, v46  }
0x22d: {  	v15 =	vld.idx.msk [tilespmem:v18+s18+$0x0], $0xffff;
	v47 =	vadd.s32 v36, v49;
	v0 =	vadd.bf16 v39, v0  }
0x22e: {  	v50 =	vor.u32 $0x5, v18;
	v12 =	vunpack.i.l.bf16.f32 v10;
	v7 =	vld [tilespmem:s30+$0x70];
	[tilespmem:v51+s24+$0x0] =	vst.idx.msk $0xffff, v8  }
0x22f: {  	v52 =	vor.u32 $0x4, v18;
	v53 =	vadd.f32 v45, v12;
	v54 =	vld [tilespmem:s30+$0xFFFFFFF0];
	v48 =	vunpack.i.l.bf16.f32 v0  }
0x230: {  	s0 =	sadd.s32 $0x1, s1;
	v55 =	vor.u32 $0x3, v18;
	v5 =	vadd.s32 v60, v5;
	v9 =	vld.idx.msk [tilespmem:v35+s18+$0x0], $0xffff;
	v3 =	vadd.f32 v3, v48  }
0x231: {  	v56 =	vmov s0;
	v37 =	vor.u32 $0x1, v18;
	v63 =	vadd.s32 v60, v63;
	v41 =	vld.idx.msk [tilespmem:v57+s18+$0x0], $0xffff;
	[tilespmem:v62+s24+$0x0] =	vst.idx.msk $0xffff, v53  }
0x232: {  	v11 =	vshll.u32 v56, $0x3;
	v2 =	vunpack.i.u.bf16.f32 v2;
	[tilespmem:v47+s24+$0x0] =	vst.idx.msk $0xffff, v3;
	v3 =	vor.u32 $0x2, v18;
	v18 =	vld [tilespmem:s30+$0xFFFFFFB0]  }
0x233: {  	v1 =	vunpack.i.u.bf16.f32 v1;
	v51 =	vor.u32 $0x3, v11;
	v2 =	vadd.f32 v7, v2;
	v7 =	vld.idx.msk [tilespmem:v50+s18+$0x0], $0xffff  }
0x234: {  	v17 =	vor.u32 $0x1, v11;
	v1 =	vadd.f32 v54, v1;
	v6 =	vld.idx.msk [tilespmem:v52+s18+$0x0], $0xffff  }
0x235: {  	[tilespmem:v5+s24+$0x0] =	vst.idx.msk $0xffff, v2;
	v62 =	vor.u32 $0x2, v11;
	v2 =	vld.idx.msk [tilespmem:v55+s18+$0x0], $0xffff  }
0x236: {  	v44 =	vand.u32 $0xFC, v31;
	v35 =	vld [tilespmem:s30+$0x30];
	[tilespmem:v63+s24+$0x0] =	vst.idx.msk $0xffff, v1  }
0x237: {  	s10 =	sadd.s32 $0x2, s1;
	v22 =	vadd.s32 v60, v49;
	v47 =	vadd.s32 v25, v44;
	v49 =	vld.idx.msk [tilespmem:v11+s18+$0x0], $0xffff  }
0x238: {  	v38 =	vor.u32 $0x7, v11;
	v57 =	vmov s10;
	v46 =	vadd.s32 v30, v44;
	[tilespmem:$0x1FD90] =	vst v47;
	v47 =	vld.idx.msk [tilespmem:v51+s18+$0x0], $0xffff  }
0x239: {  	v30 =	vand.u32 $0xFE, v57;
	v39 =	vor.u32 $0x6, v11;
	v50 =	vshll.u32 v57, $0x3;
	v57 =	vld.idx.msk [tilespmem:v17+s18+$0x0], $0xffff  }
0x23a: {  	v54 =	vld.idx.msk [tilespmem:v62+s18+$0x0], $0xffff  }
0x23b: {  	v19 =	vadd.s32 v60, v19;
	v61 =	vmul.bf16 v15, v34;
	v0 =	vunpack.i.u.bf16.f32 v0;
	v3 =	vld.idx.msk [tilespmem:v3+s18+$0x0], $0xffff  }
0x23c: {  	v10 =	vunpack.i.u.bf16.f32 v10;
	v40 =	vor.u32 $0x6, v50;
	v1 =	vadd.f32 v35, v0;
	v0 =	vld.idx.msk [tilespmem:v37+s18+$0x0], $0xffff  }
0x23d: {  	[tilespmem:$0x1FD80] =	vst v44;
	v45 =	vor.u32 $0x5, v11;
	v14 =	vmul.bf16 v9, v26;
	v48 =	vor.u32 $0x4, v50;
	v35 =	vld.idx.msk [tilespmem:v38+s18+$0x0], $0xffff  }
0x23e: {  	v20 =	vmovc v34;
	[tilespmem:$0x1FD70] =	vst v46;
	v63 =	vand.u32 $0xFD, v56;
	v55 =	vor.u32 $0x1, v50;
	v42 =	vadd.f32 v18, v10;
	v37 =	vld.idx.msk [tilespmem:v39+s18+$0x0], $0xffff  }
0x23f: {  	v38 =	vmul.bf16 v15, v43;
	v15 =	vor.u32 $0x2, v50;
	[tilespmem:v22+s24+$0x0] =	vst.idx.msk $0xffff, v1;
	v22 =	vld [tilespmem:$0x1FEC0];
	v1 =	vadd.s32 v36, v44  }
0x240: {  	v13 =	vmul.bf16 v7, v58;
	v34 =	vmul.bf16 v2, v21;
	[tilespmem:$0x1FD60] =	vst v1;
	v1 =	vor.u32 $0x4, v11;
	v52 =	vld.idx.msk [tilespmem:v50+s18+$0x0], $0xffff  }
0x241: {  	p0 =	slt.u32 s1, $0xFC;
	[tilespmem:$0x1FDB0] =	vst v14;
	v51 =	vor.u32 $0x7, v50;
	v16 =	vmul.bf16 v6, v23;
	v56 =	vmul.bf16 v6, v29;
	v31 =	vld.idx.msk [tilespmem:v40+s18+$0x0], $0xffff  }
.Ltmp2:
0x242: {  	v53 =	vmul.bf16 v7, v28;
	v62 =	vmul.bf16 v2, v32;
	[tilespmem:v19+s24+$0x0] =	vst.idx.msk $0xffff, v42;
	v40 =	vld.idx.msk [tilespmem:v45+s18+$0x0], $0xffff;
	(pc) =	sbr.rel @p0 .LBB2_8-.Ltmp2, $4  }
0x243: {  	v58 =	vmov v36;
	[tilespmem:$0x1FDA0] =	vst v13;
	v36 =	vld.idx.msk [tilespmem:v48+s18+$0x0], $0xffff;
	v48 =	vmul.bf16 v49, v43;
	v39 =	vmul.bf16 v3, v33  }
0x244: {  	[tilespmem:$0x1FDC0] =	vst v16;
	v33 =	vadd.s32 v58, v63;
	v44 =	vmul.bf16 v0, v24;
	v24 =	vmov v41;
	v45 =	vld.idx.msk [tilespmem:v15+s18+$0x0], $0xffff  }
0x245: {  	v41 =	vmul.bf16 v41, v27;
	v42 =	vld.idx.msk [tilespmem:v1+s18+$0x0], $0xffff;
	v46 =	vmul.bf16 v52, v43;
	v1 =	vadd.s32 v25, v63  }
0x246: {  	s0 =	sadd.s32 $0x3, s1;
	s1 =	sadd.s32 $0x4, s1;
	v43 =	vmul.bf16 v9, v59;
	v59 =	vadd.s32 v25, v30;
	[tilespmem:$0x1FDD0] =	vst v1;
	v1 =	vmul.bf16 v3, v22  }
0x247: {  	_ =	sdelay $0x1  }
0x248: {  	v2 =	vmov s0  }
0x249: {  	v3 =	vshll.u32 v2, $0x3  }
0x24a: {  	v6 =	vld.idx.msk [tilespmem:v55+s18+$0x0], $0xffff;
	v4 =	vor.u32 $0x1, v3  }
0x24b: {  	v32 =	vld [tilespmem:$0x1FF40]  }
0x24c: {  	v55 =	vld [tilespmem:$0x1FF90];
	v5 =	vor.u32 $0x2, v3  }
0x24d: {  	v9 =	vor.u32 $0x3, v50;
	v28 =	vld [tilespmem:$0x1FF80]  }
0x24e: {  	v8 =	vor.u32 $0x3, v3;
	v7 =	vld.idx.msk [tilespmem:v3+s18+$0x0], $0xffff  }
0x24f: {  	v13 =	vor.u32 $0x5, v50;
	v4 =	vld.idx.msk [tilespmem:v4+s18+$0x0], $0xffff  }
0x250: {  	v11 =	vmul.bf16 v49, v20;
	v27 =	vld [tilespmem:$0x1FF70];
	v10 =	vor.u32 $0x4, v3  }
0x251: {  	v12 =	vmul.bf16 v52, v20;
	v0 =	vmul.bf16 v0, v32;
	v5 =	vld.idx.msk [tilespmem:v5+s18+$0x0], $0xffff  }
0x252: {  	v15 =	vmul.bf16 v54, v22;
	v16 =	vor.u32 $0x5, v3;
	v14 =	vmul.bf16 v57, v32;
	v9 =	vld.idx.msk [tilespmem:v9+s18+$0x0], $0xffff  }
0x253: {  	v18 =	vor.u32 $0x6, v3;
	v17 =	vmul.bf16 v6, v32;
	v0 =	vadd.bf16 v0, v61;
	v8 =	vld.idx.msk [tilespmem:v8+s18+$0x0], $0xffff  }
0x254: {  	v13 =	vld.idx.msk [tilespmem:v13+s18+$0x0], $0xffff;
	v11 =	vadd.bf16 v14, v11;
	v14 =	vmul.bf16 v7, v20;
	v19 =	vmul.bf16 v4, v32  }
0x255: {  	v2 =	vand.u32 $0xFF, v2;
	v3 =	vor.u32 $0x7, v3;
	v10 =	vld.idx.msk [tilespmem:v10+s18+$0x0], $0xffff;
	v12 =	vadd.bf16 v17, v12  }
0x256: {  	v1 =	vadd.bf16 v1, v0;
	v17 =	vmul.bf16 v5, v22;
	v14 =	vadd.bf16 v19, v14  }
0x257: {  	v16 =	vld.idx.msk [tilespmem:v16+s18+$0x0], $0xffff;
	v11 =	vadd.bf16 v15, v11;
	v15 =	vmul.bf16 v47, v55;
	v61 =	vmul.bf16 v9, v55  }
0x258: {  	v21 =	vld [tilespmem:$0x1FF50];
	v19 =	vmul.bf16 v45, v22;
	v14 =	vadd.bf16 v17, v14;
	v17 =	vmul.bf16 v8, v55  }
0x259: {  	v18 =	vld.idx.msk [tilespmem:v18+s18+$0x0], $0xffff;
	v52 =	vmul.bf16 v13, v27;
	v1 =	vadd.bf16 v62, v1;
	v11 =	vadd.bf16 v15, v11  }
0x25a: {  	v25 =	vld [tilespmem:$0x1FF60];
	v12 =	vadd.bf16 v19, v12;
	v14 =	vadd.bf16 v17, v14;
	v17 =	vmul.bf16 v10, v28  }
0x25b: {  	v3 =	vld.idx.msk [tilespmem:v3+s18+$0x0], $0xffff;
	v62 =	vmul.bf16 v36, v28;
	v1 =	vadd.bf16 v56, v1;
	v19 =	vmul.bf16 v42, v28  }
0x25c: {  	v0 =	vld.idx.msk [tilespmem:v51+s18+$0x0], $0xffff;
	v12 =	vadd.bf16 v61, v12;
	v14 =	vadd.bf16 v17, v14;
	v17 =	vmul.bf16 v16, v27  }
0x25d: {  	v26 =	vld [tilespmem:$0x1FFC0];
	v56 =	vmul.bf16 v37, v21;
	v11 =	vadd.bf16 v19, v11;
	v19 =	vmul.bf16 v40, v27  }
0x25e: {  	v12 =	vadd.bf16 v62, v12;
	v14 =	vadd.bf16 v17, v14;
	v17 =	vmul.bf16 v18, v21  }
0x25f: {  	s1 =	sadd.s32 $0x100, s30;
	v22 =	vmul.bf16 v35, v25;
	v11 =	vadd.bf16 v19, v11;
	v19 =	vmul.bf16 v31, v21  }
0x260: {  	v61 =	vld [tilespmem:s1+$0x40];
	v12 =	vadd.bf16 v52, v12;
	v14 =	vadd.bf16 v17, v14;
	v17 =	vmul.bf16 v3, v25  }
0x261: {  	v15 =	vmul.bf16 v0, v25;
	v1 =	vadd.bf16 v53, v1;
	v62 =	vld [tilespmem:s1+$0xFFFFFFC0];
	v11 =	vadd.bf16 v56, v11  }
0x262: {  	v12 =	vadd.bf16 v19, v12;
	v19 =	vld [tilespmem:s1+$0x0];
	v14 =	vadd.bf16 v17, v14;
	v17 =	vadd.s32 v26, v2  }
0x263: {  	v29 =	vadd.s32 v26, v63;
	v1 =	vadd.bf16 v43, v1;
	v11 =	vadd.bf16 v22, v11  }
0x264: {  	v22 =	vadd.s32 v26, v30;
	v12 =	vadd.bf16 v15, v12;
	v15 =	vunpack.i.l.bf16.f32 v14  }
0x265: {  	v56 =	vunpack.i.l.bf16.f32 v11;
	v15 =	vadd.f32 v61, v15  }
0x266: {  	v1 =	vadd.bf16 v41, v1;
	v41 =	vadd.f32 v62, v56;
	v61 =	vunpack.i.l.bf16.f32 v12  }
0x267: {  	[tilespmem:v17+s24+$0x0] =	vst.idx.msk $0xffff, v15;
	v15 =	vadd.f32 v19, v61  }
0x268: {  	[tilespmem:v29+s24+$0x0] =	vst.idx.msk $0xffff, v41  }
0x269: {  	[tilespmem:v22+s24+$0x0] =	vst.idx.msk $0xffff, v15  }
0x26a: {  	v26 =	vld [tilespmem:$0x1FFF0]  }
0x26b: {  	v23 =	vld [tilespmem:$0x1FD70]  }
0x26c: {  	v53 =	vld [tilespmem:s1+$0xFFFFFF80]  }
0x26d: {  	v19 =	vld [tilespmem:s1+$0x50];
	_ =	sdelay $0x1  }
0x26e: {  	v22 =	vadd.s32 v26, v2  }
0x26f: {  	v17 =	vunpack.i.l.bf16.f32 v1  }
0x270: {  	v14 =	vunpack.i.u.bf16.f32 v14;
	v17 =	vadd.f32 v53, v17  }
0x271: {  	v14 =	vadd.f32 v19, v14  }
0x272: {  	[tilespmem:v23+s24+$0x0] =	vst.idx.msk $0xffff, v17  }
0x273: {  	[tilespmem:v22+s24+$0x0] =	vst.idx.msk $0xffff, v14  }
0x274: {  	v14 =	vld [tilespmem:$0x1FDD0]  }
0x275: {  	v15 =	vld [tilespmem:s1+$0xFFFFFFD0]  }
0x276: {  	v17 =	vld [tilespmem:s1+$0x10];
	_ =	sdelay $0x2  }
0x277: {  	v11 =	vunpack.i.u.bf16.f32 v11  }
0x278: {  	v12 =	vunpack.i.u.bf16.f32 v12;
	v11 =	vadd.f32 v15, v11  }
0x279: {  	v12 =	vadd.f32 v17, v12  }
0x27a: {  	[tilespmem:v14+s24+$0x0] =	vst.idx.msk $0xffff, v11  }
0x27b: {  	v23 =	vld [tilespmem:$0x1FFA0];
	[tilespmem:v59+s24+$0x0] =	vst.idx.msk $0xffff, v12  }
0x27c: {  	v12 =	vld [tilespmem:$0x1FD90]  }
0x27d: {  	v29 =	vld [tilespmem:s1+$0xFFFFFF90];
	_ =	sdelay $0x3  }
0x27e: {  	v1 =	vunpack.i.u.bf16.f32 v1  }
0x27f: {  	v1 =	vadd.f32 v29, v1;
	v62 =	vld [tilespmem:$0x1FFB0];
	_ =	sdelay $0x1  }
0x280: {  	[tilespmem:v12+s24+$0x0] =	vst.idx.msk $0xffff, v1  }
0x281: {  	v17 =	vld [tilespmem:$0x1FF30];
	_ =	sdelay $0x1  }
0x282: {  	v4 =	vmul.bf16 v4, v23;
	v7 =	vmul.bf16 v7, v62;
	v19 =	vld [tilespmem:$0x1FF00]  }
0x283: {  	v11 =	vmul.bf16 v57, v23  }
0x284: {  	v6 =	vmul.bf16 v6, v23;
	v4 =	vadd.bf16 v4, v7;
	v22 =	vld [tilespmem:$0x1FF10]  }
0x285: {  	v1 =	vadd.bf16 v11, v48;
	v7 =	vmul.bf16 v54, v17;
	v5 =	vmul.bf16 v5, v17  }
0x286: {  	v6 =	vadd.bf16 v6, v46;
	v11 =	vadd.bf16 v44, v38;
	v15 =	vld [tilespmem:$0x1FF20];
	v12 =	vmul.bf16 v45, v17  }
0x287: {  	v1 =	vadd.bf16 v7, v1;
	v4 =	vadd.bf16 v5, v4;
	v5 =	vmul.bf16 v8, v19  }
0x288: {  	v6 =	vadd.bf16 v12, v6;
	v7 =	vmul.bf16 v47, v19;
	v8 =	vmul.bf16 v9, v19  }
0x289: {  	v14 =	vld [tilespmem:$0x1FEF0];
	v9 =	vadd.bf16 v39, v11;
	v4 =	vadd.bf16 v5, v4;
	v5 =	vmul.bf16 v10, v22  }
0x28a: {  	v1 =	vadd.bf16 v7, v1;
	v6 =	vadd.bf16 v8, v6;
	v7 =	vmul.bf16 v42, v22;
	v10 =	vld [tilespmem:$0x1FDC0]  }
0x28b: {  	v8 =	vmul.bf16 v16, v15;
	v16 =	vld [tilespmem:$0x1FEE0];
	v4 =	vadd.bf16 v5, v4;
	v5 =	vmul.bf16 v36, v22  }
0x28c: {  	v9 =	vadd.bf16 v34, v9;
	v1 =	vadd.bf16 v7, v1;
	v7 =	vmul.bf16 v40, v15  }
0x28d: {  	v5 =	vadd.bf16 v5, v6;
	v4 =	vadd.bf16 v8, v4  }
0x28e: {  	v1 =	vadd.bf16 v7, v1;
	v7 =	vmul.bf16 v37, v14;
	v8 =	vmul.bf16 v13, v15  }
0x28f: {  	v9 =	vadd.bf16 v10, v9  }
0x290: {  	v10 =	vld [tilespmem:$0x1FDA0];
	v5 =	vadd.bf16 v8, v5;
	v1 =	vadd.bf16 v7, v1;
	v8 =	vmul.bf16 v35, v16  }
0x291: {  	v6 =	vmul.bf16 v18, v14  }
0x292: {  	v1 =	vadd.bf16 v8, v1;
	v8 =	vld [tilespmem:$0x1FDB0]  }
0x293: {  	v3 =	vmul.bf16 v3, v16;
	v4 =	vadd.bf16 v6, v4  }
0x294: {  	v6 =	vmul.bf16 v31, v14;
	v7 =	vld [tilespmem:s1+$0x60]  }
0x295: {  	v3 =	vadd.bf16 v3, v4;
	v4 =	vld [tilespmem:s1+$0xFFFFFFE0];
	v9 =	vadd.bf16 v10, v9  }
0x296: {  	v0 =	vmul.bf16 v0, v16;
	v5 =	vadd.bf16 v6, v5;
	v6 =	vld [tilespmem:s1+$0x20];
	v10 =	vadd.s32 v58, v2  }
0x297: {  	v8 =	vadd.bf16 v8, v9;
	v9 =	vmul.bf16 v24, v16  }
0x298: {  	v12 =	vunpack.i.l.bf16.f32 v3;
	v0 =	vadd.bf16 v0, v5;
	v5 =	vadd.s32 v58, v30  }
0x299: {  	v7 =	vadd.f32 v7, v12;
	v8 =	vadd.bf16 v9, v8;
	v9 =	vunpack.i.l.bf16.f32 v1  }
0x29a: {  	v4 =	vadd.f32 v4, v9;
	v9 =	vunpack.i.l.bf16.f32 v0  }
0x29b: {  	[tilespmem:v10+s24+$0x0] =	vst.idx.msk $0xffff, v7;
	v6 =	vadd.f32 v6, v9  }
0x29c: {  	[tilespmem:v33+s24+$0x0] =	vst.idx.msk $0xffff, v4  }
0x29d: {  	v11 =	vld [tilespmem:s1+$0xFFFFFFA0];
	[tilespmem:v5+s24+$0x0] =	vst.idx.msk $0xffff, v6  }
0x29e: {  	v6 =	vld [tilespmem:$0x1FD60];
	_ =	sdelay $0x2  }
0x29f: {  	v7 =	vunpack.i.l.bf16.f32 v8  }
0x2a0: {  	v4 =	vadd.f32 v11, v7;
	v7 =	vld [tilespmem:s1+$0x70];
	_ =	sdelay $0x3  }
0x2a1: {  	v3 =	vunpack.i.u.bf16.f32 v3;
	[tilespmem:v6+s24+$0x0] =	vst.idx.msk $0xffff, v4  }
0x2a2: {  	v3 =	vadd.f32 v7, v3;
	v7 =	vld [tilespmem:$0x1FD80]  }
0x2a3: {  	v5 =	vld [tilespmem:s1+$0xFFFFFFF0]  }
0x2a4: {  	v2 =	vadd.s32 v60, v2;
	v4 =	vld [tilespmem:s1+$0x30]  }
0x2a5: {  	v6 =	vadd.s32 v60, v63;
	v9 =	vld [tilespmem:s1+$0xFFFFFFB0]  }
0x2a6: {  	v10 =	vadd.s32 v60, v30  }
0x2a7: {  	v1 =	vunpack.i.u.bf16.f32 v1;
	v7 =	vadd.s32 v60, v7  }
0x2a8: {  	v0 =	vunpack.i.u.bf16.f32 v0;
	v1 =	vadd.f32 v5, v1  }
0x2a9: {  	[tilespmem:v2+s24+$0x0] =	vst.idx.msk $0xffff, v3;
	v2 =	vunpack.i.u.bf16.f32 v8;
	v0 =	vadd.f32 v4, v0  }
0x2aa: {  	[tilespmem:v6+s24+$0x0] =	vst.idx.msk $0xffff, v1;
	v1 =	vadd.f32 v9, v2  }
0x2ab: {  	s30 =	sadd.s32 s31, s7;
	v13 =	vmov v21;
	v12 =	vmov v15;
	v15 =	vmov v25;
	[tilespmem:v10+s24+$0x0] =	vst.idx.msk $0xffff, v0  }
0x2ac: {  	s31 =	simm.s32 $0x13600;
	s0 =	simm.s32 $0x420;
	v11 =	vmovc v27;
	v5 =	vmovc v23;
	s1 =	sadd.s32 $0x20, s30;
	v3 =	vmov v32;
	v8 =	vmov v19;
	v4 =	vmov v62;
	[tilespmem:v7+s24+$0x0] =	vst.idx.msk $0xffff, v1  }
0x2ad: {  	v6 =	vmovc v17;
	v2 =	vmovc v26;
	v9 =	vmov v28;
	v10 =	vmov v22;
	v7 =	vmov v55;
	[hbm4b:s1+s3] =	stream.linear.scatter [tilespmem:s31], [sflag:$0x6], $0x100, $0x38;
	[tilespmem:$0x17A00] =	vst v63  }
.LBB2_10:
0x2ae: {  	p0 =	seq.s32 s0, $0x103E0  }
.Ltmp3:
0x2af: {  	_ = 	snop;
	(pc) =	sbr.rel @!p0 .LBB2_10-.Ltmp3, $4  }
0x2b0: {  	_ = 	snop  }
0x2b1: {  	s10 =	sshra.s32 s0, $0x2;
	s0 =	sadd.s32 $0x420, s0  }
0x2b2: {  	s1 =	sadd.s32 $0x800, s1;
	s10 =	sadd.s32 $0x13600, s10  }
0x2b3: {  	[hbm4b:s1+s3] =	stream.linear.scatter [tilespmem:s10], [sflag:$0x6], $0x100, $0x38;
	[tilespmem:$0x17A00] =	vst v63  }
0x2b4: {  	p0 =	seq.s32 s29, $0x32  }
.Ltmp4:
0x2b5: {  	_ = 	snop;
	(pc) =	sbr.rel @!p0 .LBB2_3-.Ltmp4, $1  }
0x2b6: {  	_ =	sdelay $0x3  }
0x2b7: {  	s28 =	sadd.s32 $0x1, s28  }
0x2b8: {  	_ =	swait.ge [sflag:s25], $0x4000;
	p0 =	sne.s32 s28, s9  }
.Ltmp5:
0x2b9: {  	[sflag:s25] =	ssyncset.done $0x0;
	(pc) =	sbr.rel @p0 .LBB2_1-.Ltmp5, $4  }
0x2ba: {  	[sflag:s25] =	ssyncadd.s32 $0xFFFFC000  }
0x2bb: {  	_ =	swait.ge [sflag:s26], $0x4000  }
0x2bc: {  	[sflag:s26] =	ssyncset.done $0x0  }
0x2bd: {  	[sflag:s26] =	ssyncadd.s32 $0xFFFFC000  }
0x2be: {  	_ =	sfence.sel $0x180000  }
0x2bf: {  	[bflag:$0x0] =	sbarrier.arrive $0xFFFF  }
0x2c0: {  	_ =	strace $0x90000047  }
0x2c1: {  	s0 =	stileid.u32;
	[bflag:$0x2] =	sbarrier.arrive $0xFFFF  }
0x2c2: {  	p0 =	sne.s32 s0, $0x0;
	s0 =	rddreg [dreg:$0x2]  }
0x2c3: {  	s0 =	sadd.s32 @!p0 $0x100000, s0  }
0x2c4: {  	[sflag:s0] =	ssyncadd.tile.s32 @!p0 $0x1;
	_ =	shalt  }
.Lfunc_end2:
_tile_overlayer_lowered:
.L_overlay_start_2:
0x2c5: {  	(tag) =	ssettag $0x2  }
0x2c6: {  	s0 =	rddreg [dreg:$0x0];
	s2 =	stileid.u32  }
0x2c7: {  	s1 =	rddreg [dreg:$0x1];
	p0 =	sne.s32 s2, $0x0  }
0x2c8: {  	s3 =	rddreg [dreg:$0x2];
	[bflag:$0x3] =	sbarrier.arrive $0xFFFF;
	s2 =	simm.s32 @!p0 $0x1C07  }
0x2c9: {  	[timem:s3], [sflag:s2] =	dma.local @!p0 [hbm:s0], s1  }
0x2ca: {  	s0 =	simm.s32 @!p0 $0x7  }
0x2cb: {  	_ =	swait.ge @!p0 [sflag:s0], s1  }
0x2cc: {  	s1 =	ssub.s32 @!p0 $0x0, s1;
	[sflag:s0] =	ssyncset.done @!p0 $0x0  }
0x2cd: {  	[sflag:s0] =	ssyncadd.s32 @!p0 s1  }
0x2ce: {  	[bflag:$0x3] =	sbarrier.arrive $0xFFFF  }
0x2cf: {  	_ =	shalt  }

</sc_bundles>
